<compile_context>
chip_gen: v7x
topology: tpu7x:2x2x1
jax: 0.10.2.dev20260603
libtpu: 0.0.44.dev20260713+nightly
codegen_flags: <defaults>
</compile_context>

<pallas_src>
import functools

import jax
import jax.numpy as jnp
from jax import lax
from jax.experimental import pallas as pl
from jax.experimental.pallas import tpu as pltpu
from jax.experimental.pallas import tpu_sc as plsc

N = 10000
D = 128
E = 320000
BN_EPS = 1e-4

NC, NS, L = 2, 16, 16
DH = D // NC
CH = 128
KR = 1
CHUNK = KR * CH
NCH = 160
KR1 = 4
NCH1 = 40
EPAD = NS * NCH * CHUNK
NPAD = 10112
RPS = NPAD // NS

@functools.lru_cache(maxsize=None)
def _sc_kernels():
    mesh = plsc.VectorSubcoreMesh(core_axis_name="c", subcore_axis_name="s")
    cp = pltpu.CompilerParams(use_tc_tiling_on_sc=False)

    @functools.partial(
        pl.kernel,
        out_type=jax.ShapeDtypeStruct((NC, NPAD, L), jnp.float32),
        mesh=mesh,
        scratch_types=[
            pltpu.VMEM((NCH1 * KR1, CH), jnp.int32),
            pltpu.VMEM((CH, L), jnp.float32),
            pltpu.VMEM((RPS, L), jnp.float32),
            pltpu.VMEM_SHARED((NPAD, L), jnp.float32),
            [pltpu.SemaphoreType.DMA] * 4,
        ],
        compiler_params=cp,
    )
    def _degree_kernel(idx_hbm, out_hbm, idx_v, ones_v, zer_v, acc, dsem):
        c = lax.axis_index("c")
        s = lax.axis_index("s")

        @pl.loop(0, CH)
        def _(i):
            ones_v[i, :] = jnp.full((L,), 1.0, jnp.float32)

        @pl.loop(0, RPS)
        def _(i):
            zer_v[i, :] = jnp.zeros((L,), jnp.float32)

        pltpu.sync_copy(zer_v, acc.at[pl.ds(s * RPS, RPS)])
        pltpu.sync_copy(idx_hbm.at[c, s], idx_v)
        plsc.subcore_barrier()

        @pl.loop(0, NCH1 * KR1 // 4)
        def _(q):
            j = q * 4
            d0 = pltpu.async_copy(ones_v, acc.at[idx_v.at[j]], dsem[0],
                                  add=True)
            d1 = pltpu.async_copy(ones_v, acc.at[idx_v.at[j + 1]], dsem[1],
                                  add=True)
            d2 = pltpu.async_copy(ones_v, acc.at[idx_v.at[j + 2]], dsem[2],
                                  add=True)
            d3 = pltpu.async_copy(ones_v, acc.at[idx_v.at[j + 3]], dsem[3],
                                  add=True)
            d0.wait()
            d1.wait()
            d2.wait()
            d3.wait()

        plsc.subcore_barrier()
        pltpu.sync_copy(acc.at[pl.ds(s * RPS, RPS)],
                        out_hbm.at[c].at[pl.ds(s * RPS, RPS)])

    @functools.partial(
        pl.kernel,
        out_type=jax.ShapeDtypeStruct((NC, NPAD, DH), jnp.bfloat16),
        mesh=mesh,
        scratch_types=[
            pltpu.VMEM((NCH, CHUNK), jnp.int32),
            pltpu.VMEM((NCH, CHUNK), jnp.int32),
            pltpu.VMEM((4, CHUNK, DH), jnp.bfloat16),
            pltpu.VMEM_SHARED((NPAD, DH), jnp.bfloat16),
            pltpu.VMEM_SHARED((NPAD, DH), jnp.bfloat16),
            [pltpu.SemaphoreType.DMA] * 4,
            [pltpu.SemaphoreType.DMA] * 4,
        ],
        compiler_params=cp,
    )
    def _edge_kernel(xs_hbm, src_hbm, dst_hbm, out_hbm,
                     sidx, didx, rows, acc, tbl, gsem, ssem):
        c = lax.axis_index("c")
        s = lax.axis_index("s")

        tstage = pltpu.async_copy(xs_hbm.at[c].at[pl.ds(s * RPS, RPS)],
                                  tbl.at[pl.ds(s * RPS, RPS)], ssem[0])

        @pl.loop(0, CHUNK)
        def _(i):
            @pl.loop(0, DH, step=2 * L)
            def _(k):
                rows[0, i, pl.ds(k, 2 * L)] = jnp.zeros((2 * L,),
                                                        jnp.bfloat16)

        zbuf = rows.at[0]

        @pl.loop(0, RPS // CHUNK)
        def _(b):
            pltpu.sync_copy(zbuf, acc.at[pl.ds(s * RPS + b * CHUNK, CHUNK)])
        pltpu.sync_copy(zbuf.at[pl.ds(0, RPS % CHUNK)],
                        acc.at[pl.ds(s * RPS + (RPS // CHUNK) * CHUNK,
                                     RPS % CHUNK)])

        pltpu.sync_copy(src_hbm.at[s], sidx)
        pltpu.sync_copy(dst_hbm.at[s], didx)
        tstage.wait()
        plsc.subcore_barrier()

        xs_half = tbl

        def _scat(t, j, sem):
            return pltpu.async_copy(rows.at[t], acc.at[didx.at[j]], sem,
                                    add=True)

        @pl.loop(0, NCH // 4)
        def _(q):
            j = q * 4
            g0 = pltpu.async_copy(xs_half.at[sidx.at[j]], rows.at[0], gsem[0])
            g1 = pltpu.async_copy(xs_half.at[sidx.at[j + 1]], rows.at[1],
                                  gsem[1])
            g0.wait()
            s0 = _scat(0, j, ssem[0])
            g2 = pltpu.async_copy(xs_half.at[sidx.at[j + 2]], rows.at[2],
                                  gsem[2])
            g1.wait()
            s1 = _scat(1, j + 1, ssem[1])
            g3 = pltpu.async_copy(xs_half.at[sidx.at[j + 3]], rows.at[3],
                                  gsem[3])
            g2.wait()
            s2 = _scat(2, j + 2, ssem[2])
            g3.wait()
            s3 = _scat(3, j + 3, ssem[3])
            s0.wait()
            s1.wait()
            s2.wait()
            s3.wait()

        plsc.subcore_barrier()
        pltpu.sync_copy(acc.at[pl.ds(s * RPS, RPS)],
                        out_hbm.at[c].at[pl.ds(s * RPS, RPS)])

    return _degree_kernel, _edge_kernel


def _scale_body(x_ref, deg_ref, o_ref):
    deg = jnp.maximum(deg_ref[0][:N, 0], 1.0)
    xs = (x_ref[...] * lax.rsqrt(deg)[:, None]).astype(jnp.bfloat16)
    o_ref[0, :N, :] = xs[:, :DH]
    o_ref[1, :N, :] = xs[:, DH:]
    o_ref[:, N:, :] = jnp.zeros((NC, NPAD - N, DH), jnp.bfloat16)


def _dense_body(p_ref, deg_ref, x_ref, wg_ref, g_ref, b_ref, wf_ref, bf_ref,
                o_ref):
    p = jnp.concatenate([p_ref[0][:N, :], p_ref[1][:N, :]],
                        axis=-1).astype(jnp.float32)
    deg_in = jnp.maximum(deg_ref[1][:N, 0], 1.0)
    agg = p * lax.rsqrt(deg_in)[:, None]
    gcn = jnp.dot(agg, wg_ref[...], precision=lax.Precision.HIGHEST)
    mean = jnp.mean(gcn, axis=0)
    var = jnp.mean((gcn - mean) ** 2, axis=0)
    yblo = g_ref[...] * (gcn - mean) * lax.rsqrt(var + BN_EPS) + b_ref[...]
    film = jnp.dot(yblo, wf_ref[...], precision=lax.Precision.HIGHEST)
    film = film + bf_ref[...]
    z = film[:, :D] * yblo + film[:, D:]
    o_ref[...] = jnp.maximum(z, 0.0) + x_ref[...]


_scale_call = pl.pallas_call(
    _scale_body,
    out_shape=jax.ShapeDtypeStruct((NC, NPAD, DH), jnp.bfloat16),
)

_dense_call = pl.pallas_call(
    _dense_body,
    out_shape=jax.ShapeDtypeStruct((N, D), jnp.float32),
    compiler_params=pltpu.CompilerParams(vmem_limit_bytes=64 * 1024 * 1024),
)


def kernel(x, edge_index, W_gcn, gamma_bn, beta_bn, W_film, b_film):
    ei = edge_index.astype(jnp.int32)
    pad = jnp.full((EPAD - E,), N, jnp.int32)
    srcp = jnp.concatenate([ei[0], pad])
    dstp = jnp.concatenate([ei[1], pad])
    idx1 = jnp.stack([srcp, dstp]).reshape(NC, NS, NCH1 * KR1, CH)
    src3 = srcp.reshape(NS, NCH, CHUNK)
    dst3 = dstp.reshape(NS, NCH, CHUNK)

    degree_kernel, edge_kernel = _sc_kernels()
    degp = degree_kernel(idx1)
    xs = _scale_call(x, degp)
    partials = edge_kernel(xs, src3, dst3)
    return _dense_call(partials, degp, x, W_gcn, gamma_bn, beta_bn,
                       W_film, b_film)

# --- scband reference (transcript-rebuilt; emitter-appended) ---
"""Pipeline reference for scband-block-2637109920088 (READ-ONLY COPY).

The authoritative reference and input builder live on the scoring server;
editing this copy changes nothing except your own understanding.
"""

import jax, jax.numpy as jnp
import numpy as np

N_NODES = 10000
N_EDGES = 320000
D_FEAT = 128
BN_EPS = 1e-4


def setup_inputs(seed: int = 0) -> dict:
    key = jax.random.key(seed)
    k_x, k_e, k_w, k_f = jax.random.split(key, 4)
    x = jax.random.normal(k_x, (N_NODES, D_FEAT), dtype=jnp.float32)
    edge_index = jax.random.randint(k_e, (2, N_EDGES), 0, N_NODES, dtype=jnp.int64)
    # Learned parameters
    W_gcn = jax.random.normal(k_w, (D_FEAT, D_FEAT), dtype=jnp.float32) * (1.0 / np.sqrt(D_FEAT))
    gamma_bn = jnp.ones((D_FEAT,), dtype=jnp.float32)
    beta_bn = jnp.zeros((D_FEAT,), dtype=jnp.float32)
    W_film = jax.random.normal(k_f, (D_FEAT, 2 * D_FEAT), dtype=jnp.float32) * (1.0 / np.sqrt(D_FEAT))
    b_film = jnp.zeros((2 * D_FEAT,), dtype=jnp.float32)
    return {"x": x, "edge_index": edge_index, "W_gcn": W_gcn, "gamma_bn": gamma_bn,
            "beta_bn": beta_bn, "W_film": W_film, "b_film": b_film}


def reference(x, edge_index, W_gcn, gamma_bn, beta_bn, W_film, b_film):
    # --- GCN: symmetric-normalized message passing followed by linear transform ---
    src = edge_index[0]
    dst = edge_index[1]
    n = x.shape[0]
    ones_e = jnp.ones((src.shape[0],), dtype=jnp.float32)
    deg_in = jax.ops.segment_sum(ones_e, dst, num_segments=n)
    deg_out = jax.ops.segment_sum(ones_e, src, num_segments=n)
    deg_in = jnp.maximum(deg_in, 1.0)
    deg_out = jnp.maximum(deg_out, 1.0)
    norm = jax.lax.rsqrt(deg_out[src] * deg_in[dst])  # [E]
    msgs = x[src] * norm[:, None]                      # gather + scale
    agg = jax.ops.segment_sum(msgs, dst, num_segments=n)  # scatter-add
    gcn_out = agg @ W_gcn
    # --- BatchNormalization(axis=1) in training mode: batch stats over node axis ---
    mean = jnp.mean(gcn_out, axis=0)
    var = jnp.var(gcn_out, axis=0)
    yblo = gamma_bn * (gcn_out - mean) * jax.lax.rsqrt(var + BN_EPS) + beta_bn
    # --- FiLM: predict per-node gamma/beta from normalized features ---
    film_out = yblo @ W_film + b_film
    gamma, beta = jnp.split(film_out, 2, axis=-1)
    zlbo = gamma * yblo + beta
    # --- ReLU + residual ---
    out = jax.nn.relu(zlbo) + x
    return out

if __name__ == "__main__":
    import jax
    _d = setup_inputs()
    print(jax.jit(kernel)(*tuple(_d.values())))

</pallas_src>

<mosaic_0001>
#map = affine_map<(d0, d1) -> (0, 0, 0)>
module attributes {stable_mosaic.version = 14 : i64} {
  func.func @_edge_kernel(%arg0: i32, %arg1: i32, %arg2: memref<2x10112x64xbf16, #tpu.memory_space<hbm>>, %arg3: memref<16x160x128xi32, #tpu.memory_space<hbm>>, %arg4: memref<16x160x128xi32, #tpu.memory_space<hbm>>, %arg5: memref<2x10112x64xbf16, #tpu.memory_space<hbm>>, %arg6: memref<160x128xi32, #tpu.memory_space<vmem>>, %arg7: memref<160x128xi32, #tpu.memory_space<vmem>>, %arg8: memref<4x128x64xbf16, #tpu.memory_space<vmem>>, %arg9: memref<10112x64xbf16, #tpu.memory_space<vmem_shared>>, %arg10: memref<10112x64xbf16, #tpu.memory_space<vmem_shared>>, %arg11: memref<!tpu.dma_semaphore, #tpu.memory_space<semaphore_mem>>, %arg12: memref<!tpu.dma_semaphore, #tpu.memory_space<semaphore_mem>>, %arg13: memref<!tpu.dma_semaphore, #tpu.memory_space<semaphore_mem>>, %arg14: memref<!tpu.dma_semaphore, #tpu.memory_space<semaphore_mem>>, %arg15: memref<!tpu.dma_semaphore, #tpu.memory_space<semaphore_mem>>, %arg16: memref<!tpu.dma_semaphore, #tpu.memory_space<semaphore_mem>>, %arg17: memref<!tpu.dma_semaphore, #tpu.memory_space<semaphore_mem>>, %arg18: memref<!tpu.dma_semaphore, #tpu.memory_space<semaphore_mem>>) attributes {dimension_semantics = [#tpu.dimension_semantics<core_parallel>, #tpu.dimension_semantics<subcore_parallel>], iteration_bounds = array<i64: 2, 16>, scalar_prefetch = 0 : i64, scratch_operands = 13 : i64, tpu.core_type = #tpu.core_type<sc_vector_subcore>, window_params = [{transform_indices = #map}, {transform_indices = #map}, {transform_indices = #map}, {transform_indices = #map}]} {
    %mul3A = arith.constant 632 : i32
    %mul3A_0 = arith.muli %arg1, %mul3A : i32
    %mul3A_1 = arith.constant 632 : i32
    %mul3A_2 = arith.muli %arg1, %mul3A_1 : i32
    %dma_start3A = arith.constant 0 : i32
    %dma_start3A_3 = tpu.memref_slice %arg10[%mul3A_2, %dma_start3A] : memref<10112x64xbf16, #tpu.memory_space<vmem_shared>> -> memref<632x64xbf16, #tpu.memory_space<vmem_shared>>
    %dma_start3A_4 = arith.constant 0 : i32
    %dma_start3A_5 = arith.constant 0 : i32
    %dma_start3A_6 = tpu.memref_slice %arg2[%arg0, %dma_start3A_4, %dma_start3A_5] : memref<2x10112x64xbf16, #tpu.memory_space<hbm>> -> memref<1x10112x64xbf16, #tpu.memory_space<hbm>>
    %dma_start3A_7 = tpu.memref_squeeze %dma_start3A_6 : memref<1x10112x64xbf16, #tpu.memory_space<hbm>> -> memref<10112x64xbf16, #tpu.memory_space<hbm>>
    %dma_start3A_8 = arith.constant 0 : i32
    %dma_start3A_9 = tpu.memref_slice %dma_start3A_7[%mul3A_0, %dma_start3A_8] : memref<10112x64xbf16, #tpu.memory_space<hbm>> -> memref<632x64xbf16, #tpu.memory_space<hbm>>
    tpu.enqueue_dma source(%dma_start3A_9 : memref<632x64xbf16, #tpu.memory_space<hbm>>) target(%dma_start3A_3 : memref<632x64xbf16, #tpu.memory_space<vmem_shared>>) target_semaphore(%arg15 : memref<!tpu.dma_semaphore, #tpu.memory_space<semaphore_mem>>)
    %scan3A = arith.constant 0 : i32
    %scan3A_10 = arith.constant 128 : i32
    %scan3A_11 = arith.addi %scan3A, %scan3A_10 : i32
    %scan3A_12 = arith.constant 1 : i32
    scf.for %scan3A_40 = %scan3A to %scan3A_11 step %scan3A_12  : i32 {
      %mul3A_41 = arith.constant 1 : i32
      %mul3A_42 = arith.muli %scan3A_40, %mul3A_41 : i32
      %add3A_43 = arith.constant 0 : i32
      %add3A_44 = arith.addi %add3A_43, %mul3A_42 : i32
      %scan3A_45 = arith.constant 0 : i32
      %scan3A_46 = arith.constant 2 : i32
      %scan3A_47 = arith.addi %scan3A_45, %scan3A_46 : i32
      %scan3A_48 = arith.constant 1 : i32
      scf.for %scan3A_50 = %scan3A_45 to %scan3A_47 step %scan3A_48  : i32 {
        %mul3A_51 = arith.constant 32 : i32
        %mul3A_52 = arith.muli %scan3A_50, %mul3A_51 : i32
        %add3A_53 = arith.constant 0 : i32
        %add3A_54 = arith.addi %add3A_53, %mul3A_52 : i32
        %broadcast_in_dim3A = arith.constant 0.000000e+00 : bf16
        %broadcast_in_dim3A_55 = vector.broadcast %broadcast_in_dim3A : bf16 to vector<32xbf16>
        %swap3A = arith.constant 0 : i32
        %swap3A_56 = arith.index_cast %swap3A : i32 to index
        %swap3A_57 = arith.index_cast %add3A_44 : i32 to index
        %swap3A_58 = arith.index_cast %add3A_54 : i32 to index
        %swap3A_59 = tpu.vector_load %arg8[%swap3A_56, %swap3A_57, %swap3A_58] {strides = array<i32>} : memref<4x128x64xbf16, #tpu.memory_space<vmem>>, vector<1x1x32xbf16>,
        %swap3A_60 = vector.shape_cast %swap3A_59 : vector<1x1x32xbf16> to vector<32xbf16>
        %swap3A_61 = vector.shape_cast %broadcast_in_dim3A_55 : vector<32xbf16> to vector<1x1x32xbf16>
        tpu.vector_store %arg8[%swap3A_56, %swap3A_57, %swap3A_58], %swap3A_61 {strides = array<i32>} : memref<4x128x64xbf16, #tpu.memory_space<vmem>>, vector<1x1x32xbf16>,
      }
      %scan3A_49 = arith.constant 2 : i32
    }
    %scan3A_13 = arith.constant 128 : i32
    %scan3A_14 = arith.constant 0 : i32
    %scan3A_15 = arith.constant 0 : i32
    %scan3A_16 = arith.constant 4 : i32
    %scan3A_17 = arith.addi %scan3A_15, %scan3A_16 : i32
    %scan3A_18 = arith.constant 1 : i32
    scf.for %scan3A_40 = %scan3A_15 to %scan3A_17 step %scan3A_18  : i32 {
      %mul3A_41 = arith.constant 1 : i32
      %mul3A_42 = arith.muli %scan3A_40, %mul3A_41 : i32
      %add3A_43 = arith.constant 0 : i32
      %add3A_44 = arith.addi %add3A_43, %mul3A_42 : i32
      %mul3A_45 = arith.constant 632 : i32
      %mul3A_46 = arith.muli %arg1, %mul3A_45 : i32
      %mul3A_47 = arith.constant 128 : i32
      %mul3A_48 = arith.muli %add3A_44, %mul3A_47 : i32
      %add3A_49 = arith.addi %mul3A_46, %mul3A_48 : i32
      "tpu.region"() ({
        %run_scoped3A_50 = tpu.sem_alloc : memref<!tpu.dma_semaphore, #tpu.memory_space<semaphore_mem>>
        %dma_start3A_51 = arith.constant 0 : i32
        %dma_start3A_52 = arith.constant 0 : i32
        %dma_start3A_53 = tpu.memref_slice %arg8[%scan3A_14, %dma_start3A_51, %dma_start3A_52] : memref<4x128x64xbf16, #tpu.memory_space<vmem>> -> memref<1x128x64xbf16, #tpu.memory_space<vmem>>
        %dma_start3A_54 = tpu.memref_squeeze %dma_start3A_53 : memref<1x128x64xbf16, #tpu.memory_space<vmem>> -> memref<128x64xbf16, #tpu.memory_space<vmem>>
        %dma_start3A_55 = arith.constant 0 : i32
        %dma_start3A_56 = tpu.memref_slice %arg9[%add3A_49, %dma_start3A_55] : memref<10112x64xbf16, #tpu.memory_space<vmem_shared>> -> memref<128x64xbf16, #tpu.memory_space<vmem_shared>>
        %dma_start3A_57 = arith.constant 0 : i32
        %dma_start3A_58 = tpu.memref_slice %arg9[%add3A_49, %dma_start3A_57] : memref<10112x64xbf16, #tpu.memory_space<vmem_shared>> -> memref<128x64xbf16, #tpu.memory_space<vmem_shared>>
        %dma_start3A_59 = arith.constant 0 : i32
        %dma_start3A_60 = arith.constant 0 : i32
        %dma_start3A_61 = tpu.memref_slice %arg8[%scan3A_14, %dma_start3A_59, %dma_start3A_60] : memref<4x128x64xbf16, #tpu.memory_space<vmem>> -> memref<1x128x64xbf16, #tpu.memory_space<vmem>>
        %dma_start3A_62 = tpu.memref_squeeze %dma_start3A_61 : memref<1x128x64xbf16, #tpu.memory_space<vmem>> -> memref<128x64xbf16, #tpu.memory_space<vmem>>
        tpu.enqueue_dma source(%dma_start3A_62 : memref<128x64xbf16, #tpu.memory_space<vmem>>) target(%dma_start3A_58 : memref<128x64xbf16, #tpu.memory_space<vmem_shared>>) target_semaphore(%run_scoped3A_50 : memref<!tpu.dma_semaphore, #tpu.memory_space<semaphore_mem>>)
        %dma_wait3A_63 = arith.constant 0 : i32
        %dma_wait3A_64 = arith.constant 0 : i32
        %dma_wait3A_65 = tpu.memref_slice %arg8[%scan3A_14, %dma_wait3A_63, %dma_wait3A_64] : memref<4x128x64xbf16, #tpu.memory_space<vmem>> -> memref<1x128x64xbf16, #tpu.memory_space<vmem>>
        %dma_wait3A_66 = tpu.memref_squeeze %dma_wait3A_65 : memref<1x128x64xbf16, #tpu.memory_space<vmem>> -> memref<128x64xbf16, #tpu.memory_space<vmem>>
        %dma_wait3A_67 = arith.constant 0 : i32
        %dma_wait3A_68 = tpu.memref_slice %arg9[%add3A_49, %dma_wait3A_67] : memref<10112x64xbf16, #tpu.memory_space<vmem_shared>> -> memref<128x64xbf16, #tpu.memory_space<vmem_shared>>
        %dma_wait3A_69 = arith.constant 0 : i32
        %dma_wait3A_70 = tpu.memref_slice %arg9[%add3A_49, %dma_wait3A_69] : memref<10112x64xbf16, #tpu.memory_space<vmem_shared>> -> memref<128x64xbf16, #tpu.memory_space<vmem_shared>>
        %dma_wait3A_71 = arith.constant 0 : i32
        %dma_wait3A_72 = arith.constant 0 : i32
        %dma_wait3A_73 = tpu.memref_slice %arg8[%scan3A_14, %dma_wait3A_71, %dma_wait3A_72] : memref<4x128x64xbf16, #tpu.memory_space<vmem>> -> memref<1x128x64xbf16, #tpu.memory_space<vmem>>
        %dma_wait3A_74 = tpu.memref_squeeze %dma_wait3A_73 : memref<1x128x64xbf16, #tpu.memory_space<vmem>> -> memref<128x64xbf16, #tpu.memory_space<vmem>>
        tpu.wait_dma2 semaphore(%run_scoped3A_50 : memref<!tpu.dma_semaphore, #tpu.memory_space<semaphore_mem>>) src(%dma_wait3A_74 : memref<128x64xbf16, #tpu.memory_space<vmem>>) dst(%dma_wait3A_70 : memref<128x64xbf16, #tpu.memory_space<vmem_shared>>)
        tpu.yield
      }) : () -> ()
    }
    %scan3A_19 = arith.constant 4 : i32
    %mul3A_20 = arith.constant 632 : i32
    %mul3A_21 = arith.muli %arg1, %mul3A_20 : i32
    %add3A = arith.constant 512 : i32
    %add3A_22 = arith.addi %mul3A_21, %add3A : i32
    %run_scoped3A = arith.constant 0 : i32
    "tpu.region"() ({
      %run_scoped3A_40 = tpu.sem_alloc : memref<!tpu.dma_semaphore, #tpu.memory_space<semaphore_mem>>
      %dma_start3A_41 = arith.constant 0 : i32
      %dma_start3A_42 = arith.constant 0 : i32
      %dma_start3A_43 = tpu.memref_slice %arg8[%run_scoped3A, %dma_start3A_41, %dma_start3A_42] : memref<4x128x64xbf16, #tpu.memory_space<vmem>> -> memref<1x128x64xbf16, #tpu.memory_space<vmem>>
      %dma_start3A_44 = tpu.memref_squeeze %dma_start3A_43 : memref<1x128x64xbf16, #tpu.memory_space<vmem>> -> memref<128x64xbf16, #tpu.memory_space<vmem>>
      %dma_start3A_45 = arith.constant 0 : i32
      %dma_start3A_46 = arith.constant 0 : i32
      %dma_start3A_47 = tpu.memref_slice %dma_start3A_44[%dma_start3A_45, %dma_start3A_46] : memref<128x64xbf16, #tpu.memory_space<vmem>> -> memref<120x64xbf16, #tpu.memory_space<vmem>>
      %dma_start3A_48 = arith.constant 0 : i32
      %dma_start3A_49 = tpu.memref_slice %arg9[%add3A_22, %dma_start3A_48] : memref<10112x64xbf16, #tpu.memory_space<vmem_shared>> -> memref<120x64xbf16, #tpu.memory_space<vmem_shared>>
      %dma_start3A_50 = arith.constant 0 : i32
      %dma_start3A_51 = tpu.memref_slice %arg9[%add3A_22, %dma_start3A_50] : memref<10112x64xbf16, #tpu.memory_space<vmem_shared>> -> memref<120x64xbf16, #tpu.memory_space<vmem_shared>>
      %dma_start3A_52 = arith.constant 0 : i32
      %dma_start3A_53 = arith.constant 0 : i32
      %dma_start3A_54 = tpu.memref_slice %arg8[%run_scoped3A, %dma_start3A_52, %dma_start3A_53] : memref<4x128x64xbf16, #tpu.memory_space<vmem>> -> memref<1x128x64xbf16, #tpu.memory_space<vmem>>
      %dma_start3A_55 = tpu.memref_squeeze %dma_start3A_54 : memref<1x128x64xbf16, #tpu.memory_space<vmem>> -> memref<128x64xbf16, #tpu.memory_space<vmem>>
      %dma_start3A_56 = arith.constant 0 : i32
      %dma_start3A_57 = arith.constant 0 : i32
      %dma_start3A_58 = tpu.memref_slice %dma_start3A_55[%dma_start3A_56, %dma_start3A_57] : memref<128x64xbf16, #tpu.memory_space<vmem>> -> memref<120x64xbf16, #tpu.memory_space<vmem>>
      tpu.enqueue_dma source(%dma_start3A_58 : memref<120x64xbf16, #tpu.memory_space<vmem>>) target(%dma_start3A_51 : memref<120x64xbf16, #tpu.memory_space<vmem_shared>>) target_semaphore(%run_scoped3A_40 : memref<!tpu.dma_semaphore, #tpu.memory_space<semaphore_mem>>)
      %dma_wait3A_59 = arith.constant 0 : i32
      %dma_wait3A_60 = arith.constant 0 : i32
      %dma_wait3A_61 = tpu.memref_slice %arg8[%run_scoped3A, %dma_wait3A_59, %dma_wait3A_60] : memref<4x128x64xbf16, #tpu.memory_space<vmem>> -> memref<1x128x64xbf16, #tpu.memory_space<vmem>>
      %dma_wait3A_62 = tpu.memref_squeeze %dma_wait3A_61 : memref<1x128x64xbf16, #tpu.memory_space<vmem>> -> memref<128x64xbf16, #tpu.memory_space<vmem>>
      %dma_wait3A_63 = arith.constant 0 : i32
      %dma_wait3A_64 = arith.constant 0 : i32
      %dma_wait3A_65 = tpu.memref_slice %dma_wait3A_62[%dma_wait3A_63, %dma_wait3A_64] : memref<128x64xbf16, #tpu.memory_space<vmem>> -> memref<120x64xbf16, #tpu.memory_space<vmem>>
      %dma_wait3A_66 = arith.constant 0 : i32
      %dma_wait3A_67 = tpu.memref_slice %arg9[%add3A_22, %dma_wait3A_66] : memref<10112x64xbf16, #tpu.memory_space<vmem_shared>> -> memref<120x64xbf16, #tpu.memory_space<vmem_shared>>
      %dma_wait3A_68 = arith.constant 0 : i32
      %dma_wait3A_69 = tpu.memref_slice %arg9[%add3A_22, %dma_wait3A_68] : memref<10112x64xbf16, #tpu.memory_space<vmem_shared>> -> memref<120x64xbf16, #tpu.memory_space<vmem_shared>>
      %dma_wait3A_70 = arith.constant 0 : i32
      %dma_wait3A_71 = arith.constant 0 : i32
      %dma_wait3A_72 = tpu.memref_slice %arg8[%run_scoped3A, %dma_wait3A_70, %dma_wait3A_71] : memref<4x128x64xbf16, #tpu.memory_space<vmem>> -> memref<1x128x64xbf16, #tpu.memory_space<vmem>>
      %dma_wait3A_73 = tpu.memref_squeeze %dma_wait3A_72 : memref<1x128x64xbf16, #tpu.memory_space<vmem>> -> memref<128x64xbf16, #tpu.memory_space<vmem>>
      %dma_wait3A_74 = arith.constant 0 : i32
      %dma_wait3A_75 = arith.constant 0 : i32
      %dma_wait3A_76 = tpu.memref_slice %dma_wait3A_73[%dma_wait3A_74, %dma_wait3A_75] : memref<128x64xbf16, #tpu.memory_space<vmem>> -> memref<120x64xbf16, #tpu.memory_space<vmem>>
      tpu.wait_dma2 semaphore(%run_scoped3A_40 : memref<!tpu.dma_semaphore, #tpu.memory_space<semaphore_mem>>) src(%dma_wait3A_76 : memref<120x64xbf16, #tpu.memory_space<vmem>>) dst(%dma_wait3A_69 : memref<120x64xbf16, #tpu.memory_space<vmem_shared>>)
      tpu.yield
    }) : () -> ()
    "tpu.region"() ({
      %run_scoped3A_40 = tpu.sem_alloc : memref<!tpu.dma_semaphore, #tpu.memory_space<semaphore_mem>>
      %dma_start3A_41 = arith.constant 0 : i32
      %dma_start3A_42 = arith.constant 0 : i32
      %dma_start3A_43 = tpu.memref_slice %arg3[%arg1, %dma_start3A_41, %dma_start3A_42] : memref<16x160x128xi32, #tpu.memory_space<hbm>> -> memref<1x160x128xi32, #tpu.memory_space<hbm>>
      %dma_start3A_44 = tpu.memref_squeeze %dma_start3A_43 : memref<1x160x128xi32, #tpu.memory_space<hbm>> -> memref<160x128xi32, #tpu.memory_space<hbm>>
      %dma_start3A_45 = arith.constant 0 : i32
      %dma_start3A_46 = arith.constant 0 : i32
      %dma_start3A_47 = tpu.memref_slice %arg3[%arg1, %dma_start3A_45, %dma_start3A_46] : memref<16x160x128xi32, #tpu.memory_space<hbm>> -> memref<1x160x128xi32, #tpu.memory_space<hbm>>
      %dma_start3A_48 = tpu.memref_squeeze %dma_start3A_47 : memref<1x160x128xi32, #tpu.memory_space<hbm>> -> memref<160x128xi32, #tpu.memory_space<hbm>>
      tpu.enqueue_dma source(%dma_start3A_48 : memref<160x128xi32, #tpu.memory_space<hbm>>) target(%arg6 : memref<160x128xi32, #tpu.memory_space<vmem>>) target_semaphore(%run_scoped3A_40 : memref<!tpu.dma_semaphore, #tpu.memory_space<semaphore_mem>>)
      %dma_wait3A_49 = arith.constant 0 : i32
      %dma_wait3A_50 = arith.constant 0 : i32
      %dma_wait3A_51 = tpu.memref_slice %arg3[%arg1, %dma_wait3A_49, %dma_wait3A_50] : memref<16x160x128xi32, #tpu.memory_space<hbm>> -> memref<1x160x128xi32, #tpu.memory_space<hbm>>
      %dma_wait3A_52 = tpu.memref_squeeze %dma_wait3A_51 : memref<1x160x128xi32, #tpu.memory_space<hbm>> -> memref<160x128xi32, #tpu.memory_space<hbm>>
      %dma_wait3A_53 = arith.constant 0 : i32
      %dma_wait3A_54 = arith.constant 0 : i32
      %dma_wait3A_55 = tpu.memref_slice %arg3[%arg1, %dma_wait3A_53, %dma_wait3A_54] : memref<16x160x128xi32, #tpu.memory_space<hbm>> -> memref<1x160x128xi32, #tpu.memory_space<hbm>>
      %dma_wait3A_56 = tpu.memref_squeeze %dma_wait3A_55 : memref<1x160x128xi32, #tpu.memory_space<hbm>> -> memref<160x128xi32, #tpu.memory_space<hbm>>
      tpu.wait_dma2 semaphore(%run_scoped3A_40 : memref<!tpu.dma_semaphore, #tpu.memory_space<semaphore_mem>>) src(%dma_wait3A_56 : memref<160x128xi32, #tpu.memory_space<hbm>>) dst(%arg6 : memref<160x128xi32, #tpu.memory_space<vmem>>)
      tpu.yield
    }) : () -> ()
    "tpu.region"() ({
      %run_scoped3A_40 = tpu.sem_alloc : memref<!tpu.dma_semaphore, #tpu.memory_space<semaphore_mem>>
      %dma_start3A_41 = arith.constant 0 : i32
      %dma_start3A_42 = arith.constant 0 : i32
      %dma_start3A_43 = tpu.memref_slice %arg4[%arg1, %dma_start3A_41, %dma_start3A_42] : memref<16x160x128xi32, #tpu.memory_space<hbm>> -> memref<1x160x128xi32, #tpu.memory_space<hbm>>
      %dma_start3A_44 = tpu.memref_squeeze %dma_start3A_43 : memref<1x160x128xi32, #tpu.memory_space<hbm>> -> memref<160x128xi32, #tpu.memory_space<hbm>>
      %dma_start3A_45 = arith.constant 0 : i32
      %dma_start3A_46 = arith.constant 0 : i32
      %dma_start3A_47 = tpu.memref_slice %arg4[%arg1, %dma_start3A_45, %dma_start3A_46] : memref<16x160x128xi32, #tpu.memory_space<hbm>> -> memref<1x160x128xi32, #tpu.memory_space<hbm>>
      %dma_start3A_48 = tpu.memref_squeeze %dma_start3A_47 : memref<1x160x128xi32, #tpu.memory_space<hbm>> -> memref<160x128xi32, #tpu.memory_space<hbm>>
      tpu.enqueue_dma source(%dma_start3A_48 : memref<160x128xi32, #tpu.memory_space<hbm>>) target(%arg7 : memref<160x128xi32, #tpu.memory_space<vmem>>) target_semaphore(%run_scoped3A_40 : memref<!tpu.dma_semaphore, #tpu.memory_space<semaphore_mem>>)
      %dma_wait3A_49 = arith.constant 0 : i32
      %dma_wait3A_50 = arith.constant 0 : i32
      %dma_wait3A_51 = tpu.memref_slice %arg4[%arg1, %dma_wait3A_49, %dma_wait3A_50] : memref<16x160x128xi32, #tpu.memory_space<hbm>> -> memref<1x160x128xi32, #tpu.memory_space<hbm>>
      %dma_wait3A_52 = tpu.memref_squeeze %dma_wait3A_51 : memref<1x160x128xi32, #tpu.memory_space<hbm>> -> memref<160x128xi32, #tpu.memory_space<hbm>>
      %dma_wait3A_53 = arith.constant 0 : i32
      %dma_wait3A_54 = arith.constant 0 : i32
      %dma_wait3A_55 = tpu.memref_slice %arg4[%arg1, %dma_wait3A_53, %dma_wait3A_54] : memref<16x160x128xi32, #tpu.memory_space<hbm>> -> memref<1x160x128xi32, #tpu.memory_space<hbm>>
      %dma_wait3A_56 = tpu.memref_squeeze %dma_wait3A_55 : memref<1x160x128xi32, #tpu.memory_space<hbm>> -> memref<160x128xi32, #tpu.memory_space<hbm>>
      tpu.wait_dma2 semaphore(%run_scoped3A_40 : memref<!tpu.dma_semaphore, #tpu.memory_space<semaphore_mem>>) src(%dma_wait3A_56 : memref<160x128xi32, #tpu.memory_space<hbm>>) dst(%arg7 : memref<160x128xi32, #tpu.memory_space<vmem>>)
      tpu.yield
    }) : () -> ()
    %dma_wait3A = arith.constant 0 : i32
    %dma_wait3A_23 = tpu.memref_slice %arg10[%mul3A_2, %dma_wait3A] : memref<10112x64xbf16, #tpu.memory_space<vmem_shared>> -> memref<632x64xbf16, #tpu.memory_space<vmem_shared>>
    %dma_wait3A_24 = arith.constant 0 : i32
    %dma_wait3A_25 = arith.constant 0 : i32
    %dma_wait3A_26 = tpu.memref_slice %arg2[%arg0, %dma_wait3A_24, %dma_wait3A_25] : memref<2x10112x64xbf16, #tpu.memory_space<hbm>> -> memref<1x10112x64xbf16, #tpu.memory_space<hbm>>
    %dma_wait3A_27 = tpu.memref_squeeze %dma_wait3A_26 : memref<1x10112x64xbf16, #tpu.memory_space<hbm>> -> memref<10112x64xbf16, #tpu.memory_space<hbm>>
    %dma_wait3A_28 = arith.constant 0 : i32
    %dma_wait3A_29 = tpu.memref_slice %dma_wait3A_27[%mul3A_0, %dma_wait3A_28] : memref<10112x64xbf16, #tpu.memory_space<hbm>> -> memref<632x64xbf16, #tpu.memory_space<hbm>>
    tpu.wait_dma2 semaphore(%arg15 : memref<!tpu.dma_semaphore, #tpu.memory_space<semaphore_mem>>) src(%dma_wait3A_29 : memref<632x64xbf16, #tpu.memory_space<hbm>>) dst(%dma_wait3A_23 : memref<632x64xbf16, #tpu.memory_space<vmem_shared>>)
    %barrier3A = arith.constant 0 : index
    tpu.barrier barrier_id(%barrier3A)
    %scan3A_30 = arith.constant 0 : i32
    %scan3A_31 = arith.constant 40 : i32
    %scan3A_32 = arith.addi %scan3A_30, %scan3A_31 : i32
    %scan3A_33 = arith.constant 1 : i32
    scf.for %scan3A_40 = %scan3A_30 to %scan3A_32 step %scan3A_33  : i32 {
      %mul3A_41 = arith.constant 1 : i32
      %mul3A_42 = arith.muli %scan3A_40, %mul3A_41 : i32
      %add3A_43 = arith.constant 0 : i32
      %add3A_44 = arith.addi %add3A_43, %mul3A_42 : i32
      %mul3A_45 = arith.constant 4 : i32
      %mul3A_46 = arith.muli %add3A_44, %mul3A_45 : i32
      %dma_start3A_47 = arith.constant 0 : i32
      %dma_start3A_48 = arith.constant 0 : i32
      %dma_start3A_49 = arith.constant 0 : i32
      %dma_start3A_50 = tpu.memref_slice %arg8[%dma_start3A_47, %dma_start3A_48, %dma_start3A_49] : memref<4x128x64xbf16, #tpu.memory_space<vmem>> -> memref<1x128x64xbf16, #tpu.memory_space<vmem>>
      %dma_start3A_51 = tpu.memref_squeeze %dma_start3A_50 : memref<1x128x64xbf16, #tpu.memory_space<vmem>> -> memref<128x64xbf16, #tpu.memory_space<vmem>>
      %dma_start3A_52 = arith.constant 0 : i32
      %dma_start3A_53 = tpu.memref_slice %arg6[%mul3A_46, %dma_start3A_52] : memref<160x128xi32, #tpu.memory_space<vmem>> -> memref<1x128xi32, #tpu.memory_space<vmem>>
      %dma_start3A_54 = tpu.memref_squeeze %dma_start3A_53 : memref<1x128xi32, #tpu.memory_space<vmem>> -> memref<128xi32, #tpu.memory_space<vmem>>
      %dma_start3A_55 = arith.constant 0 : i32
      %dma_start3A_56 = arith.constant 0 : i32
      %dma_start3A_57 = tpu.memref_slice %arg10[%dma_start3A_55, %dma_start3A_56] : memref<10112x64xbf16, #tpu.memory_space<vmem_shared>> -> memref<10112x64xbf16, #tpu.memory_space<vmem_shared>>
      tpu.enqueue_indirect_dma source(%dma_start3A_57 : memref<10112x64xbf16, #tpu.memory_space<vmem_shared>>) target(%dma_start3A_51 : memref<128x64xbf16, #tpu.memory_space<vmem>>) offsets(%dma_start3A_54 : memref<128xi32, #tpu.memory_space<vmem>>) semaphore(%arg11 : memref<!tpu.dma_semaphore, #tpu.memory_space<semaphore_mem>>)
      %add3A_58 = arith.constant 1 : i32
      %add3A_59 = arith.addi %mul3A_46, %add3A_58 : i32
      %dma_start3A_60 = arith.constant 1 : i32
      %dma_start3A_61 = arith.constant 0 : i32
      %dma_start3A_62 = arith.constant 0 : i32
      %dma_start3A_63 = tpu.memref_slice %arg8[%dma_start3A_60, %dma_start3A_61, %dma_start3A_62] : memref<4x128x64xbf16, #tpu.memory_space<vmem>> -> memref<1x128x64xbf16, #tpu.memory_space<vmem>>
      %dma_start3A_64 = tpu.memref_squeeze %dma_start3A_63 : memref<1x128x64xbf16, #tpu.memory_space<vmem>> -> memref<128x64xbf16, #tpu.memory_space<vmem>>
      %dma_start3A_65 = arith.constant 0 : i32
      %dma_start3A_66 = tpu.memref_slice %arg6[%add3A_59, %dma_start3A_65] : memref<160x128xi32, #tpu.memory_space<vmem>> -> memref<1x128xi32, #tpu.memory_space<vmem>>
      %dma_start3A_67 = tpu.memref_squeeze %dma_start3A_66 : memref<1x128xi32, #tpu.memory_space<vmem>> -> memref<128xi32, #tpu.memory_space<vmem>>
      %dma_start3A_68 = arith.constant 0 : i32
      %dma_start3A_69 = arith.constant 0 : i32
      %dma_start3A_70 = tpu.memref_slice %arg10[%dma_start3A_68, %dma_start3A_69] : memref<10112x64xbf16, #tpu.memory_space<vmem_shared>> -> memref<10112x64xbf16, #tpu.memory_space<vmem_shared>>
      tpu.enqueue_indirect_dma source(%dma_start3A_70 : memref<10112x64xbf16, #tpu.memory_space<vmem_shared>>) target(%dma_start3A_64 : memref<128x64xbf16, #tpu.memory_space<vmem>>) offsets(%dma_start3A_67 : memref<128xi32, #tpu.memory_space<vmem>>) semaphore(%arg12 : memref<!tpu.dma_semaphore, #tpu.memory_space<semaphore_mem>>)
      %dma_wait3A_71 = arith.constant 0 : i32
      %dma_wait3A_72 = arith.constant 0 : i32
      %dma_wait3A_73 = arith.constant 0 : i32
      %dma_wait3A_74 = tpu.memref_slice %arg8[%dma_wait3A_71, %dma_wait3A_72, %dma_wait3A_73] : memref<4x128x64xbf16, #tpu.memory_space<vmem>> -> memref<1x128x64xbf16, #tpu.memory_space<vmem>>
      %dma_wait3A_75 = tpu.memref_squeeze %dma_wait3A_74 : memref<1x128x64xbf16, #tpu.memory_space<vmem>> -> memref<128x64xbf16, #tpu.memory_space<vmem>>
      %dma_wait3A_76 = arith.constant 0 : i32
      %dma_wait3A_77 = tpu.memref_slice %arg6[%mul3A_46, %dma_wait3A_76] : memref<160x128xi32, #tpu.memory_space<vmem>> -> memref<1x128xi32, #tpu.memory_space<vmem>>
      %dma_wait3A_78 = tpu.memref_squeeze %dma_wait3A_77 : memref<1x128xi32, #tpu.memory_space<vmem>> -> memref<128xi32, #tpu.memory_space<vmem>>
      %dma_wait3A_79 = arith.constant 0 : i32
      %dma_wait3A_80 = arith.constant 0 : i32
      %dma_wait3A_81 = tpu.memref_slice %arg10[%dma_wait3A_79, %dma_wait3A_80] : memref<10112x64xbf16, #tpu.memory_space<vmem_shared>> -> memref<10112x64xbf16, #tpu.memory_space<vmem_shared>>
      tpu.wait_indirect_dma semaphore(%arg11 : memref<!tpu.dma_semaphore, #tpu.memory_space<semaphore_mem>>) src(%dma_wait3A_81 : memref<10112x64xbf16, #tpu.memory_space<vmem_shared>>) dst(%dma_wait3A_75 : memref<128x64xbf16, #tpu.memory_space<vmem>>)
      %dma_start3A_82 = arith.constant 0 : i32
      %dma_start3A_83 = arith.constant 0 : i32
      %dma_start3A_84 = arith.constant 0 : i32
      %dma_start3A_85 = tpu.memref_slice %arg8[%dma_start3A_82, %dma_start3A_83, %dma_start3A_84] : memref<4x128x64xbf16, #tpu.memory_space<vmem>> -> memref<1x128x64xbf16, #tpu.memory_space<vmem>>
      %dma_start3A_86 = tpu.memref_squeeze %dma_start3A_85 : memref<1x128x64xbf16, #tpu.memory_space<vmem>> -> memref<128x64xbf16, #tpu.memory_space<vmem>>
      %dma_start3A_87 = arith.constant 0 : i32
      %dma_start3A_88 = tpu.memref_slice %arg7[%mul3A_46, %dma_start3A_87] : memref<160x128xi32, #tpu.memory_space<vmem>> -> memref<1x128xi32, #tpu.memory_space<vmem>>
      %dma_start3A_89 = tpu.memref_squeeze %dma_start3A_88 : memref<1x128xi32, #tpu.memory_space<vmem>> -> memref<128xi32, #tpu.memory_space<vmem>>
      %dma_start3A_90 = arith.constant 0 : i32
      %dma_start3A_91 = arith.constant 0 : i32
      %dma_start3A_92 = tpu.memref_slice %arg9[%dma_start3A_90, %dma_start3A_91] : memref<10112x64xbf16, #tpu.memory_space<vmem_shared>> -> memref<10112x64xbf16, #tpu.memory_space<vmem_shared>>
      tpu.enqueue_indirect_dma source(%dma_start3A_86 : memref<128x64xbf16, #tpu.memory_space<vmem>>) target(%dma_start3A_92 : memref<10112x64xbf16, #tpu.memory_space<vmem_shared>>) offsets(%dma_start3A_89 : memref<128xi32, #tpu.memory_space<vmem>>) semaphore(%arg15 : memref<!tpu.dma_semaphore, #tpu.memory_space<semaphore_mem>>) {add = true}
      %add3A_93 = arith.constant 2 : i32
      %add3A_94 = arith.addi %mul3A_46, %add3A_93 : i32
      %dma_start3A_95 = arith.constant 2 : i32
      %dma_start3A_96 = arith.constant 0 : i32
      %dma_start3A_97 = arith.constant 0 : i32
      %dma_start3A_98 = tpu.memref_slice %arg8[%dma_start3A_95, %dma_start3A_96, %dma_start3A_97] : memref<4x128x64xbf16, #tpu.memory_space<vmem>> -> memref<1x128x64xbf16, #tpu.memory_space<vmem>>
      %dma_start3A_99 = tpu.memref_squeeze %dma_start3A_98 : memref<1x128x64xbf16, #tpu.memory_space<vmem>> -> memref<128x64xbf16, #tpu.memory_space<vmem>>
      %dma_start3A_100 = arith.constant 0 : i32
      %dma_start3A_101 = tpu.memref_slice %arg6[%add3A_94, %dma_start3A_100] : memref<160x128xi32, #tpu.memory_space<vmem>> -> memref<1x128xi32, #tpu.memory_space<vmem>>
      %dma_start3A_102 = tpu.memref_squeeze %dma_start3A_101 : memref<1x128xi32, #tpu.memory_space<vmem>> -> memref<128xi32, #tpu.memory_space<vmem>>
      %dma_start3A_103 = arith.constant 0 : i32
      %dma_start3A_104 = arith.constant 0 : i32
      %dma_start3A_105 = tpu.memref_slice %arg10[%dma_start3A_103, %dma_start3A_104] : memref<10112x64xbf16, #tpu.memory_space<vmem_shared>> -> memref<10112x64xbf16, #tpu.memory_space<vmem_shared>>
      tpu.enqueue_indirect_dma source(%dma_start3A_105 : memref<10112x64xbf16, #tpu.memory_space<vmem_shared>>) target(%dma_start3A_99 : memref<128x64xbf16, #tpu.memory_space<vmem>>) offsets(%dma_start3A_102 : memref<128xi32, #tpu.memory_space<vmem>>) semaphore(%arg13 : memref<!tpu.dma_semaphore, #tpu.memory_space<semaphore_mem>>)
      %dma_wait3A_106 = arith.constant 1 : i32
      %dma_wait3A_107 = arith.constant 0 : i32
      %dma_wait3A_108 = arith.constant 0 : i32
      %dma_wait3A_109 = tpu.memref_slice %arg8[%dma_wait3A_106, %dma_wait3A_107, %dma_wait3A_108] : memref<4x128x64xbf16, #tpu.memory_space<vmem>> -> memref<1x128x64xbf16, #tpu.memory_space<vmem>>
      %dma_wait3A_110 = tpu.memref_squeeze %dma_wait3A_109 : memref<1x128x64xbf16, #tpu.memory_space<vmem>> -> memref<128x64xbf16, #tpu.memory_space<vmem>>
      %dma_wait3A_111 = arith.constant 0 : i32
      %dma_wait3A_112 = tpu.memref_slice %arg6[%add3A_59, %dma_wait3A_111] : memref<160x128xi32, #tpu.memory_space<vmem>> -> memref<1x128xi32, #tpu.memory_space<vmem>>
      %dma_wait3A_113 = tpu.memref_squeeze %dma_wait3A_112 : memref<1x128xi32, #tpu.memory_space<vmem>> -> memref<128xi32, #tpu.memory_space<vmem>>
      %dma_wait3A_114 = arith.constant 0 : i32
      %dma_wait3A_115 = arith.constant 0 : i32
      %dma_wait3A_116 = tpu.memref_slice %arg10[%dma_wait3A_114, %dma_wait3A_115] : memref<10112x64xbf16, #tpu.memory_space<vmem_shared>> -> memref<10112x64xbf16, #tpu.memory_space<vmem_shared>>
      tpu.wait_indirect_dma semaphore(%arg12 : memref<!tpu.dma_semaphore, #tpu.memory_space<semaphore_mem>>) src(%dma_wait3A_116 : memref<10112x64xbf16, #tpu.memory_space<vmem_shared>>) dst(%dma_wait3A_110 : memref<128x64xbf16, #tpu.memory_space<vmem>>)
      %add3A_117 = arith.constant 1 : i32
      %add3A_118 = arith.addi %mul3A_46, %add3A_117 : i32
      %dma_start3A_119 = arith.constant 1 : i32
      %dma_start3A_120 = arith.constant 0 : i32
      %dma_start3A_121 = arith.constant 0 : i32
      %dma_start3A_122 = tpu.memref_slice %arg8[%dma_start3A_119, %dma_start3A_120, %dma_start3A_121] : memref<4x128x64xbf16, #tpu.memory_space<vmem>> -> memref<1x128x64xbf16, #tpu.memory_space<vmem>>
      %dma_start3A_123 = tpu.memref_squeeze %dma_start3A_122 : memref<1x128x64xbf16, #tpu.memory_space<vmem>> -> memref<128x64xbf16, #tpu.memory_space<vmem>>
      %dma_start3A_124 = arith.constant 0 : i32
      %dma_start3A_125 = tpu.memref_slice %arg7[%add3A_118, %dma_start3A_124] : memref<160x128xi32, #tpu.memory_space<vmem>> -> memref<1x128xi32, #tpu.memory_space<vmem>>
      %dma_start3A_126 = tpu.memref_squeeze %dma_start3A_125 : memref<1x128xi32, #tpu.memory_space<vmem>> -> memref<128xi32, #tpu.memory_space<vmem>>
      %dma_start3A_127 = arith.constant 0 : i32
      %dma_start3A_128 = arith.constant 0 : i32
      %dma_start3A_129 = tpu.memref_slice %arg9[%dma_start3A_127, %dma_start3A_128] : memref<10112x64xbf16, #tpu.memory_space<vmem_shared>> -> memref<10112x64xbf16, #tpu.memory_space<vmem_shared>>
      tpu.enqueue_indirect_dma source(%dma_start3A_123 : memref<128x64xbf16, #tpu.memory_space<vmem>>) target(%dma_start3A_129 : memref<10112x64xbf16, #tpu.memory_space<vmem_shared>>) offsets(%dma_start3A_126 : memref<128xi32, #tpu.memory_space<vmem>>) semaphore(%arg16 : memref<!tpu.dma_semaphore, #tpu.memory_space<semaphore_mem>>) {add = true}
      %add3A_130 = arith.constant 3 : i32
      %add3A_131 = arith.addi %mul3A_46, %add3A_130 : i32
      %dma_start3A_132 = arith.constant 3 : i32
      %dma_start3A_133 = arith.constant 0 : i32
      %dma_start3A_134 = arith.constant 0 : i32
      %dma_start3A_135 = tpu.memref_slice %arg8[%dma_start3A_132, %dma_start3A_133, %dma_start3A_134] : memref<4x128x64xbf16, #tpu.memory_space<vmem>> -> memref<1x128x64xbf16, #tpu.memory_space<vmem>>
      %dma_start3A_136 = tpu.memref_squeeze %dma_start3A_135 : memref<1x128x64xbf16, #tpu.memory_space<vmem>> -> memref<128x64xbf16, #tpu.memory_space<vmem>>
      %dma_start3A_137 = arith.constant 0 : i32
      %dma_start3A_138 = tpu.memref_slice %arg6[%add3A_131, %dma_start3A_137] : memref<160x128xi32, #tpu.memory_space<vmem>> -> memref<1x128xi32, #tpu.memory_space<vmem>>
      %dma_start3A_139 = tpu.memref_squeeze %dma_start3A_138 : memref<1x128xi32, #tpu.memory_space<vmem>> -> memref<128xi32, #tpu.memory_space<vmem>>
      %dma_start3A_140 = arith.constant 0 : i32
      %dma_start3A_141 = arith.constant 0 : i32
      %dma_start3A_142 = tpu.memref_slice %arg10[%dma_start3A_140, %dma_start3A_141] : memref<10112x64xbf16, #tpu.memory_space<vmem_shared>> -> memref<10112x64xbf16, #tpu.memory_space<vmem_shared>>
      tpu.enqueue_indirect_dma source(%dma_start3A_142 : memref<10112x64xbf16, #tpu.memory_space<vmem_shared>>) target(%dma_start3A_136 : memref<128x64xbf16, #tpu.memory_space<vmem>>) offsets(%dma_start3A_139 : memref<128xi32, #tpu.memory_space<vmem>>) semaphore(%arg14 : memref<!tpu.dma_semaphore, #tpu.memory_space<semaphore_mem>>)
      %dma_wait3A_143 = arith.constant 2 : i32
      %dma_wait3A_144 = arith.constant 0 : i32
      %dma_wait3A_145 = arith.constant 0 : i32
      %dma_wait3A_146 = tpu.memref_slice %arg8[%dma_wait3A_143, %dma_wait3A_144, %dma_wait3A_145] : memref<4x128x64xbf16, #tpu.memory_space<vmem>> -> memref<1x128x64xbf16, #tpu.memory_space<vmem>>
      %dma_wait3A_147 = tpu.memref_squeeze %dma_wait3A_146 : memref<1x128x64xbf16, #tpu.memory_space<vmem>> -> memref<128x64xbf16, #tpu.memory_space<vmem>>
      %dma_wait3A_148 = arith.constant 0 : i32
      %dma_wait3A_149 = tpu.memref_slice %arg6[%add3A_94, %dma_wait3A_148] : memref<160x128xi32, #tpu.memory_space<vmem>> -> memref<1x128xi32, #tpu.memory_space<vmem>>
      %dma_wait3A_150 = tpu.memref_squeeze %dma_wait3A_149 : memref<1x128xi32, #tpu.memory_space<vmem>> -> memref<128xi32, #tpu.memory_space<vmem>>
      %dma_wait3A_151 = arith.constant 0 : i32
      %dma_wait3A_152 = arith.constant 0 : i32
      %dma_wait3A_153 = tpu.memref_slice %arg10[%dma_wait3A_151, %dma_wait3A_152] : memref<10112x64xbf16, #tpu.memory_space<vmem_shared>> -> memref<10112x64xbf16, #tpu.memory_space<vmem_shared>>
      tpu.wait_indirect_dma semaphore(%arg13 : memref<!tpu.dma_semaphore, #tpu.memory_space<semaphore_mem>>) src(%dma_wait3A_153 : memref<10112x64xbf16, #tpu.memory_space<vmem_shared>>) dst(%dma_wait3A_147 : memref<128x64xbf16, #tpu.memory_space<vmem>>)
      %add3A_154 = arith.constant 2 : i32
      %add3A_155 = arith.addi %mul3A_46, %add3A_154 : i32
      %dma_start3A_156 = arith.constant 2 : i32
      %dma_start3A_157 = arith.constant 0 : i32
      %dma_start3A_158 = arith.constant 0 : i32
      %dma_start3A_159 = tpu.memref_slice %arg8[%dma_start3A_156, %dma_start3A_157, %dma_start3A_158] : memref<4x128x64xbf16, #tpu.memory_space<vmem>> -> memref<1x128x64xbf16, #tpu.memory_space<vmem>>
      %dma_start3A_160 = tpu.memref_squeeze %dma_start3A_159 : memref<1x128x64xbf16, #tpu.memory_space<vmem>> -> memref<128x64xbf16, #tpu.memory_space<vmem>>
      %dma_start3A_161 = arith.constant 0 : i32
      %dma_start3A_162 = tpu.memref_slice %arg7[%add3A_155, %dma_start3A_161] : memref<160x128xi32, #tpu.memory_space<vmem>> -> memref<1x128xi32, #tpu.memory_space<vmem>>
      %dma_start3A_163 = tpu.memref_squeeze %dma_start3A_162 : memref<1x128xi32, #tpu.memory_space<vmem>> -> memref<128xi32, #tpu.memory_space<vmem>>
      %dma_start3A_164 = arith.constant 0 : i32
      %dma_start3A_165 = arith.constant 0 : i32
      %dma_start3A_166 = tpu.memref_slice %arg9[%dma_start3A_164, %dma_start3A_165] : memref<10112x64xbf16, #tpu.memory_space<vmem_shared>> -> memref<10112x64xbf16, #tpu.memory_space<vmem_shared>>
      tpu.enqueue_indirect_dma source(%dma_start3A_160 : memref<128x64xbf16, #tpu.memory_space<vmem>>) target(%dma_start3A_166 : memref<10112x64xbf16, #tpu.memory_space<vmem_shared>>) offsets(%dma_start3A_163 : memref<128xi32, #tpu.memory_space<vmem>>) semaphore(%arg17 : memref<!tpu.dma_semaphore, #tpu.memory_space<semaphore_mem>>) {add = true}
      %dma_wait3A_167 = arith.constant 3 : i32
      %dma_wait3A_168 = arith.constant 0 : i32
      %dma_wait3A_169 = arith.constant 0 : i32
      %dma_wait3A_170 = tpu.memref_slice %arg8[%dma_wait3A_167, %dma_wait3A_168, %dma_wait3A_169] : memref<4x128x64xbf16, #tpu.memory_space<vmem>> -> memref<1x128x64xbf16, #tpu.memory_space<vmem>>
      %dma_wait3A_171 = tpu.memref_squeeze %dma_wait3A_170 : memref<1x128x64xbf16, #tpu.memory_space<vmem>> -> memref<128x64xbf16, #tpu.memory_space<vmem>>
      %dma_wait3A_172 = arith.constant 0 : i32
      %dma_wait3A_173 = tpu.memref_slice %arg6[%add3A_131, %dma_wait3A_172] : memref<160x128xi32, #tpu.memory_space<vmem>> -> memref<1x128xi32, #tpu.memory_space<vmem>>
      %dma_wait3A_174 = tpu.memref_squeeze %dma_wait3A_173 : memref<1x128xi32, #tpu.memory_space<vmem>> -> memref<128xi32, #tpu.memory_space<vmem>>
      %dma_wait3A_175 = arith.constant 0 : i32
      %dma_wait3A_176 = arith.constant 0 : i32
      %dma_wait3A_177 = tpu.memref_slice %arg10[%dma_wait3A_175, %dma_wait3A_176] : memref<10112x64xbf16, #tpu.memory_space<vmem_shared>> -> memref<10112x64xbf16, #tpu.memory_space<vmem_shared>>
      tpu.wait_indirect_dma semaphore(%arg14 : memref<!tpu.dma_semaphore, #tpu.memory_space<semaphore_mem>>) src(%dma_wait3A_177 : memref<10112x64xbf16, #tpu.memory_space<vmem_shared>>) dst(%dma_wait3A_171 : memref<128x64xbf16, #tpu.memory_space<vmem>>)
      %add3A_178 = arith.constant 3 : i32
      %add3A_179 = arith.addi %mul3A_46, %add3A_178 : i32
      %dma_start3A_180 = arith.constant 3 : i32
      %dma_start3A_181 = arith.constant 0 : i32
      %dma_start3A_182 = arith.constant 0 : i32
      %dma_start3A_183 = tpu.memref_slice %arg8[%dma_start3A_180, %dma_start3A_181, %dma_start3A_182] : memref<4x128x64xbf16, #tpu.memory_space<vmem>> -> memref<1x128x64xbf16, #tpu.memory_space<vmem>>
      %dma_start3A_184 = tpu.memref_squeeze %dma_start3A_183 : memref<1x128x64xbf16, #tpu.memory_space<vmem>> -> memref<128x64xbf16, #tpu.memory_space<vmem>>
      %dma_start3A_185 = arith.constant 0 : i32
      %dma_start3A_186 = tpu.memref_slice %arg7[%add3A_179, %dma_start3A_185] : memref<160x128xi32, #tpu.memory_space<vmem>> -> memref<1x128xi32, #tpu.memory_space<vmem>>
      %dma_start3A_187 = tpu.memref_squeeze %dma_start3A_186 : memref<1x128xi32, #tpu.memory_space<vmem>> -> memref<128xi32, #tpu.memory_space<vmem>>
      %dma_start3A_188 = arith.constant 0 : i32
      %dma_start3A_189 = arith.constant 0 : i32
      %dma_start3A_190 = tpu.memref_slice %arg9[%dma_start3A_188, %dma_start3A_189] : memref<10112x64xbf16, #tpu.memory_space<vmem_shared>> -> memref<10112x64xbf16, #tpu.memory_space<vmem_shared>>
      tpu.enqueue_indirect_dma source(%dma_start3A_184 : memref<128x64xbf16, #tpu.memory_space<vmem>>) target(%dma_start3A_190 : memref<10112x64xbf16, #tpu.memory_space<vmem_shared>>) offsets(%dma_start3A_187 : memref<128xi32, #tpu.memory_space<vmem>>) semaphore(%arg18 : memref<!tpu.dma_semaphore, #tpu.memory_space<semaphore_mem>>) {add = true}
      %dma_wait3A_191 = arith.constant 0 : i32
      %dma_wait3A_192 = arith.constant 0 : i32
      %dma_wait3A_193 = arith.constant 0 : i32
      %dma_wait3A_194 = tpu.memref_slice %arg8[%dma_wait3A_191, %dma_wait3A_192, %dma_wait3A_193] : memref<4x128x64xbf16, #tpu.memory_space<vmem>> -> memref<1x128x64xbf16, #tpu.memory_space<vmem>>
      %dma_wait3A_195 = tpu.memref_squeeze %dma_wait3A_194 : memref<1x128x64xbf16, #tpu.memory_space<vmem>> -> memref<128x64xbf16, #tpu.memory_space<vmem>>
      %dma_wait3A_196 = arith.constant 0 : i32
      %dma_wait3A_197 = tpu.memref_slice %arg7[%mul3A_46, %dma_wait3A_196] : memref<160x128xi32, #tpu.memory_space<vmem>> -> memref<1x128xi32, #tpu.memory_space<vmem>>
      %dma_wait3A_198 = tpu.memref_squeeze %dma_wait3A_197 : memref<1x128xi32, #tpu.memory_space<vmem>> -> memref<128xi32, #tpu.memory_space<vmem>>
      %dma_wait3A_199 = arith.constant 0 : i32
      %dma_wait3A_200 = arith.constant 0 : i32
      %dma_wait3A_201 = tpu.memref_slice %arg9[%dma_wait3A_199, %dma_wait3A_200] : memref<10112x64xbf16, #tpu.memory_space<vmem_shared>> -> memref<10112x64xbf16, #tpu.memory_space<vmem_shared>>
      tpu.wait_indirect_dma semaphore(%arg15 : memref<!tpu.dma_semaphore, #tpu.memory_space<semaphore_mem>>) src(%dma_wait3A_195 : memref<128x64xbf16, #tpu.memory_space<vmem>>) dst(%dma_wait3A_201 : memref<10112x64xbf16, #tpu.memory_space<vmem_shared>>)
      %dma_wait3A_202 = arith.constant 1 : i32
      %dma_wait3A_203 = arith.constant 0 : i32
      %dma_wait3A_204 = arith.constant 0 : i32
      %dma_wait3A_205 = tpu.memref_slice %arg8[%dma_wait3A_202, %dma_wait3A_203, %dma_wait3A_204] : memref<4x128x64xbf16, #tpu.memory_space<vmem>> -> memref<1x128x64xbf16, #tpu.memory_space<vmem>>
      %dma_wait3A_206 = tpu.memref_squeeze %dma_wait3A_205 : memref<1x128x64xbf16, #tpu.memory_space<vmem>> -> memref<128x64xbf16, #tpu.memory_space<vmem>>
      %dma_wait3A_207 = arith.constant 0 : i32
      %dma_wait3A_208 = tpu.memref_slice %arg7[%add3A_118, %dma_wait3A_207] : memref<160x128xi32, #tpu.memory_space<vmem>> -> memref<1x128xi32, #tpu.memory_space<vmem>>
      %dma_wait3A_209 = tpu.memref_squeeze %dma_wait3A_208 : memref<1x128xi32, #tpu.memory_space<vmem>> -> memref<128xi32, #tpu.memory_space<vmem>>
      %dma_wait3A_210 = arith.constant 0 : i32
      %dma_wait3A_211 = arith.constant 0 : i32
      %dma_wait3A_212 = tpu.memref_slice %arg9[%dma_wait3A_210, %dma_wait3A_211] : memref<10112x64xbf16, #tpu.memory_space<vmem_shared>> -> memref<10112x64xbf16, #tpu.memory_space<vmem_shared>>
      tpu.wait_indirect_dma semaphore(%arg16 : memref<!tpu.dma_semaphore, #tpu.memory_space<semaphore_mem>>) src(%dma_wait3A_206 : memref<128x64xbf16, #tpu.memory_space<vmem>>) dst(%dma_wait3A_212 : memref<10112x64xbf16, #tpu.memory_space<vmem_shared>>)
      %dma_wait3A_213 = arith.constant 2 : i32
      %dma_wait3A_214 = arith.constant 0 : i32
      %dma_wait3A_215 = arith.constant 0 : i32
      %dma_wait3A_216 = tpu.memref_slice %arg8[%dma_wait3A_213, %dma_wait3A_214, %dma_wait3A_215] : memref<4x128x64xbf16, #tpu.memory_space<vmem>> -> memref<1x128x64xbf16, #tpu.memory_space<vmem>>
      %dma_wait3A_217 = tpu.memref_squeeze %dma_wait3A_216 : memref<1x128x64xbf16, #tpu.memory_space<vmem>> -> memref<128x64xbf16, #tpu.memory_space<vmem>>
      %dma_wait3A_218 = arith.constant 0 : i32
      %dma_wait3A_219 = tpu.memref_slice %arg7[%add3A_155, %dma_wait3A_218] : memref<160x128xi32, #tpu.memory_space<vmem>> -> memref<1x128xi32, #tpu.memory_space<vmem>>
      %dma_wait3A_220 = tpu.memref_squeeze %dma_wait3A_219 : memref<1x128xi32, #tpu.memory_space<vmem>> -> memref<128xi32, #tpu.memory_space<vmem>>
      %dma_wait3A_221 = arith.constant 0 : i32
      %dma_wait3A_222 = arith.constant 0 : i32
      %dma_wait3A_223 = tpu.memref_slice %arg9[%dma_wait3A_221, %dma_wait3A_222] : memref<10112x64xbf16, #tpu.memory_space<vmem_shared>> -> memref<10112x64xbf16, #tpu.memory_space<vmem_shared>>
      tpu.wait_indirect_dma semaphore(%arg17 : memref<!tpu.dma_semaphore, #tpu.memory_space<semaphore_mem>>) src(%dma_wait3A_217 : memref<128x64xbf16, #tpu.memory_space<vmem>>) dst(%dma_wait3A_223 : memref<10112x64xbf16, #tpu.memory_space<vmem_shared>>)
      %dma_wait3A_224 = arith.constant 3 : i32
      %dma_wait3A_225 = arith.constant 0 : i32
      %dma_wait3A_226 = arith.constant 0 : i32
      %dma_wait3A_227 = tpu.memref_slice %arg8[%dma_wait3A_224, %dma_wait3A_225, %dma_wait3A_226] : memref<4x128x64xbf16, #tpu.memory_space<vmem>> -> memref<1x128x64xbf16, #tpu.memory_space<vmem>>
      %dma_wait3A_228 = tpu.memref_squeeze %dma_wait3A_227 : memref<1x128x64xbf16, #tpu.memory_space<vmem>> -> memref<128x64xbf16, #tpu.memory_space<vmem>>
      %dma_wait3A_229 = arith.constant 0 : i32
      %dma_wait3A_230 = tpu.memref_slice %arg7[%add3A_179, %dma_wait3A_229] : memref<160x128xi32, #tpu.memory_space<vmem>> -> memref<1x128xi32, #tpu.memory_space<vmem>>
      %dma_wait3A_231 = tpu.memref_squeeze %dma_wait3A_230 : memref<1x128xi32, #tpu.memory_space<vmem>> -> memref<128xi32, #tpu.memory_space<vmem>>
      %dma_wait3A_232 = arith.constant 0 : i32
      %dma_wait3A_233 = arith.constant 0 : i32
      %dma_wait3A_234 = tpu.memref_slice %arg9[%dma_wait3A_232, %dma_wait3A_233] : memref<10112x64xbf16, #tpu.memory_space<vmem_shared>> -> memref<10112x64xbf16, #tpu.memory_space<vmem_shared>>
      tpu.wait_indirect_dma semaphore(%arg18 : memref<!tpu.dma_semaphore, #tpu.memory_space<semaphore_mem>>) src(%dma_wait3A_228 : memref<128x64xbf16, #tpu.memory_space<vmem>>) dst(%dma_wait3A_234 : memref<10112x64xbf16, #tpu.memory_space<vmem_shared>>)
    }
    %scan3A_34 = arith.constant 40 : i32
    %barrier3A_35 = arith.constant 0 : index
    tpu.barrier barrier_id(%barrier3A_35)
    %mul3A_36 = arith.constant 632 : i32
    %mul3A_37 = arith.muli %arg1, %mul3A_36 : i32
    %mul3A_38 = arith.constant 632 : i32
    %mul3A_39 = arith.muli %arg1, %mul3A_38 : i32
    "tpu.region"() ({
      %run_scoped3A_40 = tpu.sem_alloc : memref<!tpu.dma_semaphore, #tpu.memory_space<semaphore_mem>>
      %dma_start3A_41 = arith.constant 0 : i32
      %dma_start3A_42 = arith.constant 0 : i32
      %dma_start3A_43 = tpu.memref_slice %arg5[%arg0, %dma_start3A_41, %dma_start3A_42] : memref<2x10112x64xbf16, #tpu.memory_space<hbm>> -> memref<1x10112x64xbf16, #tpu.memory_space<hbm>>
      %dma_start3A_44 = tpu.memref_squeeze %dma_start3A_43 : memref<1x10112x64xbf16, #tpu.memory_space<hbm>> -> memref<10112x64xbf16, #tpu.memory_space<hbm>>
      %dma_start3A_45 = arith.constant 0 : i32
      %dma_start3A_46 = tpu.memref_slice %dma_start3A_44[%mul3A_39, %dma_start3A_45] : memref<10112x64xbf16, #tpu.memory_space<hbm>> -> memref<632x64xbf16, #tpu.memory_space<hbm>>
      %dma_start3A_47 = arith.constant 0 : i32
      %dma_start3A_48 = tpu.memref_slice %arg9[%mul3A_37, %dma_start3A_47] : memref<10112x64xbf16, #tpu.memory_space<vmem_shared>> -> memref<632x64xbf16, #tpu.memory_space<vmem_shared>>
      tpu.enqueue_dma source(%dma_start3A_48 : memref<632x64xbf16, #tpu.memory_space<vmem_shared>>) target(%dma_start3A_46 : memref<632x64xbf16, #tpu.memory_space<hbm>>) target_semaphore(%run_scoped3A_40 : memref<!tpu.dma_semaphore, #tpu.memory_space<semaphore_mem>>)
      %dma_wait3A_49 = arith.constant 0 : i32
      %dma_wait3A_50 = arith.constant 0 : i32
      %dma_wait3A_51 = tpu.memref_slice %arg5[%arg0, %dma_wait3A_49, %dma_wait3A_50] : memref<2x10112x64xbf16, #tpu.memory_space<hbm>> -> memref<1x10112x64xbf16, #tpu.memory_space<hbm>>
      %dma_wait3A_52 = tpu.memref_squeeze %dma_wait3A_51 : memref<1x10112x64xbf16, #tpu.memory_space<hbm>> -> memref<10112x64xbf16, #tpu.memory_space<hbm>>
      %dma_wait3A_53 = arith.constant 0 : i32
      %dma_wait3A_54 = tpu.memref_slice %dma_wait3A_52[%mul3A_39, %dma_wait3A_53] : memref<10112x64xbf16, #tpu.memory_space<hbm>> -> memref<632x64xbf16, #tpu.memory_space<hbm>>
      %dma_wait3A_55 = arith.constant 0 : i32
      %dma_wait3A_56 = tpu.memref_slice %arg9[%mul3A_37, %dma_wait3A_55] : memref<10112x64xbf16, #tpu.memory_space<vmem_shared>> -> memref<632x64xbf16, #tpu.memory_space<vmem_shared>>
      tpu.wait_dma2 semaphore(%run_scoped3A_40 : memref<!tpu.dma_semaphore, #tpu.memory_space<semaphore_mem>>) src(%dma_wait3A_56 : memref<632x64xbf16, #tpu.memory_space<vmem_shared>>) dst(%dma_wait3A_54 : memref<632x64xbf16, #tpu.memory_space<hbm>>)
      tpu.yield
    }) : () -> ()
    return
  }
}

#map = affine_map<(d0, d1) -> (0, 0, 0, 0)>
#map1 = affine_map<(d0, d1) -> (0, 0, 0)>
module attributes {stable_mosaic.version = 14 : i64} {
  func.func @_degree_kernel(%arg0: i32, %arg1: i32, %arg2: memref<2x16x160x128xi32, #tpu.memory_space<hbm>>, %arg3: memref<2x10112x16xf32, #tpu.memory_space<hbm>>, %arg4: memref<160x128xi32, #tpu.memory_space<vmem>>, %arg5: memref<128x16xf32, #tpu.memory_space<vmem>>, %arg6: memref<632x16xf32, #tpu.memory_space<vmem>>, %arg7: memref<10112x16xf32, #tpu.memory_space<vmem_shared>>, %arg8: memref<!tpu.dma_semaphore, #tpu.memory_space<semaphore_mem>>, %arg9: memref<!tpu.dma_semaphore, #tpu.memory_space<semaphore_mem>>, %arg10: memref<!tpu.dma_semaphore, #tpu.memory_space<semaphore_mem>>, %arg11: memref<!tpu.dma_semaphore, #tpu.memory_space<semaphore_mem>>) attributes {dimension_semantics = [#tpu.dimension_semantics<core_parallel>, #tpu.dimension_semantics<subcore_parallel>], iteration_bounds = array<i64: 2, 16>, scalar_prefetch = 0 : i64, scratch_operands = 8 : i64, tpu.core_type = #tpu.core_type<sc_vector_subcore>, window_params = [{transform_indices = #map}, {transform_indices = #map1}]} {
    %scan3A = arith.constant 0 : i32
    %scan3A_0 = arith.constant 128 : i32
    %scan3A_1 = arith.addi %scan3A, %scan3A_0 : i32
    %scan3A_2 = arith.constant 1 : i32
    scf.for %scan3A_20 = %scan3A to %scan3A_1 step %scan3A_2  : i32 {
      %mul3A_21 = arith.constant 1 : i32
      %mul3A_22 = arith.muli %scan3A_20, %mul3A_21 : i32
      %add3A = arith.constant 0 : i32
      %add3A_23 = arith.addi %add3A, %mul3A_22 : i32
      %broadcast_in_dim3A = arith.constant 1.000000e+00 : f32
      %broadcast_in_dim3A_24 = vector.broadcast %broadcast_in_dim3A : f32 to vector<16xf32>
      %swap3A = arith.index_cast %add3A_23 : i32 to index
      %swap3A_25 = arith.constant 0 : index
      %swap3A_26 = tpu.vector_load %arg5[%swap3A, %swap3A_25] {strides = array<i32>} : memref<128x16xf32, #tpu.memory_space<vmem>>, vector<1x16xf32>,
      %swap3A_27 = vector.shape_cast %swap3A_26 : vector<1x16xf32> to vector<16xf32>
      %swap3A_28 = vector.shape_cast %broadcast_in_dim3A_24 : vector<16xf32> to vector<1x16xf32>
      tpu.vector_store %arg5[%swap3A, %swap3A_25], %swap3A_28 {strides = array<i32>} : memref<128x16xf32, #tpu.memory_space<vmem>>, vector<1x16xf32>,
    }
    %scan3A_3 = arith.constant 128 : i32
    %scan3A_4 = arith.constant 0 : i32
    %scan3A_5 = arith.constant 632 : i32
    %scan3A_6 = arith.addi %scan3A_4, %scan3A_5 : i32
    %scan3A_7 = arith.constant 1 : i32
    scf.for %scan3A_20 = %scan3A_4 to %scan3A_6 step %scan3A_7  : i32 {
      %mul3A_21 = arith.constant 1 : i32
      %mul3A_22 = arith.muli %scan3A_20, %mul3A_21 : i32
      %add3A = arith.constant 0 : i32
      %add3A_23 = arith.addi %add3A, %mul3A_22 : i32
      %broadcast_in_dim3A = arith.constant 0.000000e+00 : f32
      %broadcast_in_dim3A_24 = vector.broadcast %broadcast_in_dim3A : f32 to vector<16xf32>
      %swap3A = arith.index_cast %add3A_23 : i32 to index
      %swap3A_25 = arith.constant 0 : index
      %swap3A_26 = tpu.vector_load %arg6[%swap3A, %swap3A_25] {strides = array<i32>} : memref<632x16xf32, #tpu.memory_space<vmem>>, vector<1x16xf32>,
      %swap3A_27 = vector.shape_cast %swap3A_26 : vector<1x16xf32> to vector<16xf32>
      %swap3A_28 = vector.shape_cast %broadcast_in_dim3A_24 : vector<16xf32> to vector<1x16xf32>
      tpu.vector_store %arg6[%swap3A, %swap3A_25], %swap3A_28 {strides = array<i32>} : memref<632x16xf32, #tpu.memory_space<vmem>>, vector<1x16xf32>,
    }
    %scan3A_8 = arith.constant 632 : i32
    %mul3A = arith.constant 632 : i32
    %mul3A_9 = arith.muli %arg1, %mul3A : i32
    "tpu.region"() ({
      %run_scoped3A = tpu.sem_alloc : memref<!tpu.dma_semaphore, #tpu.memory_space<semaphore_mem>>
      %dma_start3A = arith.constant 0 : i32
      %dma_start3A_20 = tpu.memref_slice %arg7[%mul3A_9, %dma_start3A] : memref<10112x16xf32, #tpu.memory_space<vmem_shared>> -> memref<632x16xf32, #tpu.memory_space<vmem_shared>>
      %dma_start3A_21 = arith.constant 0 : i32
      %dma_start3A_22 = tpu.memref_slice %arg7[%mul3A_9, %dma_start3A_21] : memref<10112x16xf32, #tpu.memory_space<vmem_shared>> -> memref<632x16xf32, #tpu.memory_space<vmem_shared>>
      tpu.enqueue_dma source(%arg6 : memref<632x16xf32, #tpu.memory_space<vmem>>) target(%dma_start3A_22 : memref<632x16xf32, #tpu.memory_space<vmem_shared>>) target_semaphore(%run_scoped3A : memref<!tpu.dma_semaphore, #tpu.memory_space<semaphore_mem>>)
      %dma_wait3A = arith.constant 0 : i32
      %dma_wait3A_23 = tpu.memref_slice %arg7[%mul3A_9, %dma_wait3A] : memref<10112x16xf32, #tpu.memory_space<vmem_shared>> -> memref<632x16xf32, #tpu.memory_space<vmem_shared>>
      %dma_wait3A_24 = arith.constant 0 : i32
      %dma_wait3A_25 = tpu.memref_slice %arg7[%mul3A_9, %dma_wait3A_24] : memref<10112x16xf32, #tpu.memory_space<vmem_shared>> -> memref<632x16xf32, #tpu.memory_space<vmem_shared>>
      tpu.wait_dma2 semaphore(%run_scoped3A : memref<!tpu.dma_semaphore, #tpu.memory_space<semaphore_mem>>) src(%arg6 : memref<632x16xf32, #tpu.memory_space<vmem>>) dst(%dma_wait3A_25 : memref<632x16xf32, #tpu.memory_space<vmem_shared>>)
      tpu.yield
    }) : () -> ()
    "tpu.region"() ({
      %run_scoped3A = tpu.sem_alloc : memref<!tpu.dma_semaphore, #tpu.memory_space<semaphore_mem>>
      %dma_start3A = arith.constant 0 : i32
      %dma_start3A_20 = arith.constant 0 : i32
      %dma_start3A_21 = tpu.memref_slice %arg2[%arg0, %arg1, %dma_start3A, %dma_start3A_20] : memref<2x16x160x128xi32, #tpu.memory_space<hbm>> -> memref<1x1x160x128xi32, #tpu.memory_space<hbm>>
      %dma_start3A_22 = tpu.memref_squeeze %dma_start3A_21 : memref<1x1x160x128xi32, #tpu.memory_space<hbm>> -> memref<160x128xi32, #tpu.memory_space<hbm>>
      %dma_start3A_23 = arith.constant 0 : i32
      %dma_start3A_24 = arith.constant 0 : i32
      %dma_start3A_25 = tpu.memref_slice %arg2[%arg0, %arg1, %dma_start3A_23, %dma_start3A_24] : memref<2x16x160x128xi32, #tpu.memory_space<hbm>> -> memref<1x1x160x128xi32, #tpu.memory_space<hbm>>
      %dma_start3A_26 = tpu.memref_squeeze %dma_start3A_25 : memref<1x1x160x128xi32, #tpu.memory_space<hbm>> -> memref<160x128xi32, #tpu.memory_space<hbm>>
      tpu.enqueue_dma source(%dma_start3A_26 : memref<160x128xi32, #tpu.memory_space<hbm>>) target(%arg4 : memref<160x128xi32, #tpu.memory_space<vmem>>) target_semaphore(%run_scoped3A : memref<!tpu.dma_semaphore, #tpu.memory_space<semaphore_mem>>)
      %dma_wait3A = arith.constant 0 : i32
      %dma_wait3A_27 = arith.constant 0 : i32
      %dma_wait3A_28 = tpu.memref_slice %arg2[%arg0, %arg1, %dma_wait3A, %dma_wait3A_27] : memref<2x16x160x128xi32, #tpu.memory_space<hbm>> -> memref<1x1x160x128xi32, #tpu.memory_space<hbm>>
      %dma_wait3A_29 = tpu.memref_squeeze %dma_wait3A_28 : memref<1x1x160x128xi32, #tpu.memory_space<hbm>> -> memref<160x128xi32, #tpu.memory_space<hbm>>
      %dma_wait3A_30 = arith.constant 0 : i32
      %dma_wait3A_31 = arith.constant 0 : i32
      %dma_wait3A_32 = tpu.memref_slice %arg2[%arg0, %arg1, %dma_wait3A_30, %dma_wait3A_31] : memref<2x16x160x128xi32, #tpu.memory_space<hbm>> -> memref<1x1x160x128xi32, #tpu.memory_space<hbm>>
      %dma_wait3A_33 = tpu.memref_squeeze %dma_wait3A_32 : memref<1x1x160x128xi32, #tpu.memory_space<hbm>> -> memref<160x128xi32, #tpu.memory_space<hbm>>
      tpu.wait_dma2 semaphore(%run_scoped3A : memref<!tpu.dma_semaphore, #tpu.memory_space<semaphore_mem>>) src(%dma_wait3A_33 : memref<160x128xi32, #tpu.memory_space<hbm>>) dst(%arg4 : memref<160x128xi32, #tpu.memory_space<vmem>>)
      tpu.yield
    }) : () -> ()
    %barrier3A = arith.constant 0 : index
    tpu.barrier barrier_id(%barrier3A)
    %scan3A_10 = arith.constant 0 : i32
    %scan3A_11 = arith.constant 40 : i32
    %scan3A_12 = arith.addi %scan3A_10, %scan3A_11 : i32
    %scan3A_13 = arith.constant 1 : i32
    scf.for %scan3A_20 = %scan3A_10 to %scan3A_12 step %scan3A_13  : i32 {
      %mul3A_21 = arith.constant 1 : i32
      %mul3A_22 = arith.muli %scan3A_20, %mul3A_21 : i32
      %add3A = arith.constant 0 : i32
      %add3A_23 = arith.addi %add3A, %mul3A_22 : i32
      %mul3A_24 = arith.constant 4 : i32
      %mul3A_25 = arith.muli %add3A_23, %mul3A_24 : i32
      %dma_start3A = arith.constant 0 : i32
      %dma_start3A_26 = tpu.memref_slice %arg4[%mul3A_25, %dma_start3A] : memref<160x128xi32, #tpu.memory_space<vmem>> -> memref<1x128xi32, #tpu.memory_space<vmem>>
      %dma_start3A_27 = tpu.memref_squeeze %dma_start3A_26 : memref<1x128xi32, #tpu.memory_space<vmem>> -> memref<128xi32, #tpu.memory_space<vmem>>
      %dma_start3A_28 = arith.constant 0 : i32
      %dma_start3A_29 = arith.constant 0 : i32
      %dma_start3A_30 = tpu.memref_slice %arg7[%dma_start3A_28, %dma_start3A_29] : memref<10112x16xf32, #tpu.memory_space<vmem_shared>> -> memref<10112x16xf32, #tpu.memory_space<vmem_shared>>
      tpu.enqueue_indirect_dma source(%arg5 : memref<128x16xf32, #tpu.memory_space<vmem>>) target(%dma_start3A_30 : memref<10112x16xf32, #tpu.memory_space<vmem_shared>>) offsets(%dma_start3A_27 : memref<128xi32, #tpu.memory_space<vmem>>) semaphore(%arg8 : memref<!tpu.dma_semaphore, #tpu.memory_space<semaphore_mem>>) {add = true}
      %add3A_31 = arith.constant 1 : i32
      %add3A_32 = arith.addi %mul3A_25, %add3A_31 : i32
      %dma_start3A_33 = arith.constant 0 : i32
      %dma_start3A_34 = tpu.memref_slice %arg4[%add3A_32, %dma_start3A_33] : memref<160x128xi32, #tpu.memory_space<vmem>> -> memref<1x128xi32, #tpu.memory_space<vmem>>
      %dma_start3A_35 = tpu.memref_squeeze %dma_start3A_34 : memref<1x128xi32, #tpu.memory_space<vmem>> -> memref<128xi32, #tpu.memory_space<vmem>>
      %dma_start3A_36 = arith.constant 0 : i32
      %dma_start3A_37 = arith.constant 0 : i32
      %dma_start3A_38 = tpu.memref_slice %arg7[%dma_start3A_36, %dma_start3A_37] : memref<10112x16xf32, #tpu.memory_space<vmem_shared>> -> memref<10112x16xf32, #tpu.memory_space<vmem_shared>>
      tpu.enqueue_indirect_dma source(%arg5 : memref<128x16xf32, #tpu.memory_space<vmem>>) target(%dma_start3A_38 : memref<10112x16xf32, #tpu.memory_space<vmem_shared>>) offsets(%dma_start3A_35 : memref<128xi32, #tpu.memory_space<vmem>>) semaphore(%arg9 : memref<!tpu.dma_semaphore, #tpu.memory_space<semaphore_mem>>) {add = true}
      %add3A_39 = arith.constant 2 : i32
      %add3A_40 = arith.addi %mul3A_25, %add3A_39 : i32
      %dma_start3A_41 = arith.constant 0 : i32
      %dma_start3A_42 = tpu.memref_slice %arg4[%add3A_40, %dma_start3A_41] : memref<160x128xi32, #tpu.memory_space<vmem>> -> memref<1x128xi32, #tpu.memory_space<vmem>>
      %dma_start3A_43 = tpu.memref_squeeze %dma_start3A_42 : memref<1x128xi32, #tpu.memory_space<vmem>> -> memref<128xi32, #tpu.memory_space<vmem>>
      %dma_start3A_44 = arith.constant 0 : i32
      %dma_start3A_45 = arith.constant 0 : i32
      %dma_start3A_46 = tpu.memref_slice %arg7[%dma_start3A_44, %dma_start3A_45] : memref<10112x16xf32, #tpu.memory_space<vmem_shared>> -> memref<10112x16xf32, #tpu.memory_space<vmem_shared>>
      tpu.enqueue_indirect_dma source(%arg5 : memref<128x16xf32, #tpu.memory_space<vmem>>) target(%dma_start3A_46 : memref<10112x16xf32, #tpu.memory_space<vmem_shared>>) offsets(%dma_start3A_43 : memref<128xi32, #tpu.memory_space<vmem>>) semaphore(%arg10 : memref<!tpu.dma_semaphore, #tpu.memory_space<semaphore_mem>>) {add = true}
      %add3A_47 = arith.constant 3 : i32
      %add3A_48 = arith.addi %mul3A_25, %add3A_47 : i32
      %dma_start3A_49 = arith.constant 0 : i32
      %dma_start3A_50 = tpu.memref_slice %arg4[%add3A_48, %dma_start3A_49] : memref<160x128xi32, #tpu.memory_space<vmem>> -> memref<1x128xi32, #tpu.memory_space<vmem>>
      %dma_start3A_51 = tpu.memref_squeeze %dma_start3A_50 : memref<1x128xi32, #tpu.memory_space<vmem>> -> memref<128xi32, #tpu.memory_space<vmem>>
      %dma_start3A_52 = arith.constant 0 : i32
      %dma_start3A_53 = arith.constant 0 : i32
      %dma_start3A_54 = tpu.memref_slice %arg7[%dma_start3A_52, %dma_start3A_53] : memref<10112x16xf32, #tpu.memory_space<vmem_shared>> -> memref<10112x16xf32, #tpu.memory_space<vmem_shared>>
      tpu.enqueue_indirect_dma source(%arg5 : memref<128x16xf32, #tpu.memory_space<vmem>>) target(%dma_start3A_54 : memref<10112x16xf32, #tpu.memory_space<vmem_shared>>) offsets(%dma_start3A_51 : memref<128xi32, #tpu.memory_space<vmem>>) semaphore(%arg11 : memref<!tpu.dma_semaphore, #tpu.memory_space<semaphore_mem>>) {add = true}
      %dma_wait3A = arith.constant 0 : i32
      %dma_wait3A_55 = tpu.memref_slice %arg4[%mul3A_25, %dma_wait3A] : memref<160x128xi32, #tpu.memory_space<vmem>> -> memref<1x128xi32, #tpu.memory_space<vmem>>
      %dma_wait3A_56 = tpu.memref_squeeze %dma_wait3A_55 : memref<1x128xi32, #tpu.memory_space<vmem>> -> memref<128xi32, #tpu.memory_space<vmem>>
      %dma_wait3A_57 = arith.constant 0 : i32
      %dma_wait3A_58 = arith.constant 0 : i32
      %dma_wait3A_59 = tpu.memref_slice %arg7[%dma_wait3A_57, %dma_wait3A_58] : memref<10112x16xf32, #tpu.memory_space<vmem_shared>> -> memref<10112x16xf32, #tpu.memory_space<vmem_shared>>
      tpu.wait_indirect_dma semaphore(%arg8 : memref<!tpu.dma_semaphore, #tpu.memory_space<semaphore_mem>>) src(%arg5 : memref<128x16xf32, #tpu.memory_space<vmem>>) dst(%dma_wait3A_59 : memref<10112x16xf32, #tpu.memory_space<vmem_shared>>)
      %dma_wait3A_60 = arith.constant 0 : i32
      %dma_wait3A_61 = tpu.memref_slice %arg4[%add3A_32, %dma_wait3A_60] : memref<160x128xi32, #tpu.memory_space<vmem>> -> memref<1x128xi32, #tpu.memory_space<vmem>>
      %dma_wait3A_62 = tpu.memref_squeeze %dma_wait3A_61 : memref<1x128xi32, #tpu.memory_space<vmem>> -> memref<128xi32, #tpu.memory_space<vmem>>
      %dma_wait3A_63 = arith.constant 0 : i32
      %dma_wait3A_64 = arith.constant 0 : i32
      %dma_wait3A_65 = tpu.memref_slice %arg7[%dma_wait3A_63, %dma_wait3A_64] : memref<10112x16xf32, #tpu.memory_space<vmem_shared>> -> memref<10112x16xf32, #tpu.memory_space<vmem_shared>>
      tpu.wait_indirect_dma semaphore(%arg9 : memref<!tpu.dma_semaphore, #tpu.memory_space<semaphore_mem>>) src(%arg5 : memref<128x16xf32, #tpu.memory_space<vmem>>) dst(%dma_wait3A_65 : memref<10112x16xf32, #tpu.memory_space<vmem_shared>>)
      %dma_wait3A_66 = arith.constant 0 : i32
      %dma_wait3A_67 = tpu.memref_slice %arg4[%add3A_40, %dma_wait3A_66] : memref<160x128xi32, #tpu.memory_space<vmem>> -> memref<1x128xi32, #tpu.memory_space<vmem>>
      %dma_wait3A_68 = tpu.memref_squeeze %dma_wait3A_67 : memref<1x128xi32, #tpu.memory_space<vmem>> -> memref<128xi32, #tpu.memory_space<vmem>>
      %dma_wait3A_69 = arith.constant 0 : i32
      %dma_wait3A_70 = arith.constant 0 : i32
      %dma_wait3A_71 = tpu.memref_slice %arg7[%dma_wait3A_69, %dma_wait3A_70] : memref<10112x16xf32, #tpu.memory_space<vmem_shared>> -> memref<10112x16xf32, #tpu.memory_space<vmem_shared>>
      tpu.wait_indirect_dma semaphore(%arg10 : memref<!tpu.dma_semaphore, #tpu.memory_space<semaphore_mem>>) src(%arg5 : memref<128x16xf32, #tpu.memory_space<vmem>>) dst(%dma_wait3A_71 : memref<10112x16xf32, #tpu.memory_space<vmem_shared>>)
      %dma_wait3A_72 = arith.constant 0 : i32
      %dma_wait3A_73 = tpu.memref_slice %arg4[%add3A_48, %dma_wait3A_72] : memref<160x128xi32, #tpu.memory_space<vmem>> -> memref<1x128xi32, #tpu.memory_space<vmem>>
      %dma_wait3A_74 = tpu.memref_squeeze %dma_wait3A_73 : memref<1x128xi32, #tpu.memory_space<vmem>> -> memref<128xi32, #tpu.memory_space<vmem>>
      %dma_wait3A_75 = arith.constant 0 : i32
      %dma_wait3A_76 = arith.constant 0 : i32
      %dma_wait3A_77 = tpu.memref_slice %arg7[%dma_wait3A_75, %dma_wait3A_76] : memref<10112x16xf32, #tpu.memory_space<vmem_shared>> -> memref<10112x16xf32, #tpu.memory_space<vmem_shared>>
      tpu.wait_indirect_dma semaphore(%arg11 : memref<!tpu.dma_semaphore, #tpu.memory_space<semaphore_mem>>) src(%arg5 : memref<128x16xf32, #tpu.memory_space<vmem>>) dst(%dma_wait3A_77 : memref<10112x16xf32, #tpu.memory_space<vmem_shared>>)
    }
    %scan3A_14 = arith.constant 40 : i32
    %barrier3A_15 = arith.constant 0 : index
    tpu.barrier barrier_id(%barrier3A_15)
    %mul3A_16 = arith.constant 632 : i32
    %mul3A_17 = arith.muli %arg1, %mul3A_16 : i32
    %mul3A_18 = arith.constant 632 : i32
    %mul3A_19 = arith.muli %arg1, %mul3A_18 : i32
    "tpu.region"() ({
      %run_scoped3A = tpu.sem_alloc : memref<!tpu.dma_semaphore, #tpu.memory_space<semaphore_mem>>
      %dma_start3A = arith.constant 0 : i32
      %dma_start3A_20 = arith.constant 0 : i32
      %dma_start3A_21 = tpu.memref_slice %arg3[%arg0, %dma_start3A, %dma_start3A_20] : memref<2x10112x16xf32, #tpu.memory_space<hbm>> -> memref<1x10112x16xf32, #tpu.memory_space<hbm>>
      %dma_start3A_22 = tpu.memref_squeeze %dma_start3A_21 : memref<1x10112x16xf32, #tpu.memory_space<hbm>> -> memref<10112x16xf32, #tpu.memory_space<hbm>>
      %dma_start3A_23 = arith.constant 0 : i32
      %dma_start3A_24 = tpu.memref_slice %dma_start3A_22[%mul3A_19, %dma_start3A_23] : memref<10112x16xf32, #tpu.memory_space<hbm>> -> memref<632x16xf32, #tpu.memory_space<hbm>>
      %dma_start3A_25 = arith.constant 0 : i32
      %dma_start3A_26 = tpu.memref_slice %arg7[%mul3A_17, %dma_start3A_25] : memref<10112x16xf32, #tpu.memory_space<vmem_shared>> -> memref<632x16xf32, #tpu.memory_space<vmem_shared>>
      tpu.enqueue_dma source(%dma_start3A_26 : memref<632x16xf32, #tpu.memory_space<vmem_shared>>) target(%dma_start3A_24 : memref<632x16xf32, #tpu.memory_space<hbm>>) target_semaphore(%run_scoped3A : memref<!tpu.dma_semaphore, #tpu.memory_space<semaphore_mem>>)
      %dma_wait3A = arith.constant 0 : i32
      %dma_wait3A_27 = arith.constant 0 : i32
      %dma_wait3A_28 = tpu.memref_slice %arg3[%arg0, %dma_wait3A, %dma_wait3A_27] : memref<2x10112x16xf32, #tpu.memory_space<hbm>> -> memref<1x10112x16xf32, #tpu.memory_space<hbm>>
      %dma_wait3A_29 = tpu.memref_squeeze %dma_wait3A_28 : memref<1x10112x16xf32, #tpu.memory_space<hbm>> -> memref<10112x16xf32, #tpu.memory_space<hbm>>
      %dma_wait3A_30 = arith.constant 0 : i32
      %dma_wait3A_31 = tpu.memref_slice %dma_wait3A_29[%mul3A_19, %dma_wait3A_30] : memref<10112x16xf32, #tpu.memory_space<hbm>> -> memref<632x16xf32, #tpu.memory_space<hbm>>
      %dma_wait3A_32 = arith.constant 0 : i32
      %dma_wait3A_33 = tpu.memref_slice %arg7[%mul3A_17, %dma_wait3A_32] : memref<10112x16xf32, #tpu.memory_space<vmem_shared>> -> memref<632x16xf32, #tpu.memory_space<vmem_shared>>
      tpu.wait_dma2 semaphore(%run_scoped3A : memref<!tpu.dma_semaphore, #tpu.memory_space<semaphore_mem>>) src(%dma_wait3A_33 : memref<632x16xf32, #tpu.memory_space<vmem_shared>>) dst(%dma_wait3A_31 : memref<632x16xf32, #tpu.memory_space<hbm>>)
      tpu.yield
    }) : () -> ()
    return
  }
}

module attributes {stable_mosaic.version = 14 : i64} {
  func.func @_scale_body(%arg0: memref<10000x128xf32, #tpu.memory_space<vmem>>, %arg1: memref<2x10112x16xf32, #tpu.memory_space<vmem>>, %arg2: memref<2x10112x64xbf16, #tpu.memory_space<vmem>>) attributes {dimension_semantics = [], scalar_prefetch = 0 : i64, scratch_operands = 0 : i64, tpu.core_type = #tpu.core_type<tc>} {
    %get3A = arith.constant 0 : index
    %get3A_0 = arith.constant 0 : index
    %get3A_1 = arith.constant 0 : index
    %get3A_2 = vector.load %arg1[%get3A, %get3A_0, %get3A_1] : memref<2x10112x16xf32, #tpu.memory_space<vmem>>, vector<1x10112x16xf32>
    %get3A_3 = vector.shape_cast %get3A_2 : vector<1x10112x16xf32> to vector<10112x16xf32>
    %slice3A = vector.extract_strided_slice %get3A_3 {offsets = [0, 0], sizes = [10000, 1], strides = [1, 1]} : vector<10112x16xf32> to vector<10000x1xf32>
    %squeeze3A = vector.shape_cast %slice3A : vector<10000x1xf32> to vector<10000xf32>
    %max3A = arith.constant 1.000000e+00 : f32
    %max3A_4 = vector.broadcast %max3A : f32 to vector<10000xf32>
    %max3A_5 = arith.maximumf %squeeze3A, %max3A_4 : vector<10000xf32>
    %get3A_6 = arith.constant 0 : index
    %get3A_7 = arith.constant 0 : index
    %get3A_8 = vector.load %arg0[%get3A_6, %get3A_7] : memref<10000x128xf32, #tpu.memory_space<vmem>>, vector<10000x128xf32>
    %rsqrt3A = math.rsqrt %max3A_5 : vector<10000xf32>
    %broadcast_in_dim3A = vector.shape_cast %rsqrt3A : vector<10000xf32> to vector<10000x1xf32>
    %mul3A = vector.broadcast %broadcast_in_dim3A : vector<10000x1xf32> to vector<10000x128xf32>
    %mul3A_9 = arith.mulf %get3A_8, %mul3A : vector<10000x128xf32>
    %convert_element_type3A = arith.truncf %mul3A_9 : vector<10000x128xf32> to vector<10000x128xbf16>
    %slice3A_10 = vector.extract_strided_slice %convert_element_type3A {offsets = [0, 0], sizes = [10000, 64], strides = [1, 1]} : vector<10000x128xbf16> to vector<10000x64xbf16>
    %swap3A = arith.constant 0 : index
    %swap3A_11 = arith.constant 0 : index
    %swap3A_12 = arith.constant 0 : index
    %swap3A_13 = vector.load %arg2[%swap3A, %swap3A_11, %swap3A_12] : memref<2x10112x64xbf16, #tpu.memory_space<vmem>>, vector<1x10000x64xbf16>
    %swap3A_14 = vector.shape_cast %swap3A_13 : vector<1x10000x64xbf16> to vector<10000x64xbf16>
    %swap3A_15 = vector.shape_cast %slice3A_10 : vector<10000x64xbf16> to vector<1x10000x64xbf16>
    tpu.vector_store %arg2[%swap3A, %swap3A_11, %swap3A_12], %swap3A_15 {strides = array<i32>} : memref<2x10112x64xbf16, #tpu.memory_space<vmem>>, vector<1x10000x64xbf16>,
    %slice3A_16 = vector.extract_strided_slice %convert_element_type3A {offsets = [0, 64], sizes = [10000, 64], strides = [1, 1]} : vector<10000x128xbf16> to vector<10000x64xbf16>
    %swap3A_17 = arith.constant 1 : index
    %swap3A_18 = arith.constant 0 : index
    %swap3A_19 = arith.constant 0 : index
    %swap3A_20 = vector.load %arg2[%swap3A_17, %swap3A_18, %swap3A_19] : memref<2x10112x64xbf16, #tpu.memory_space<vmem>>, vector<1x10000x64xbf16>
    %swap3A_21 = vector.shape_cast %swap3A_20 : vector<1x10000x64xbf16> to vector<10000x64xbf16>
    %swap3A_22 = vector.shape_cast %slice3A_16 : vector<10000x64xbf16> to vector<1x10000x64xbf16>
    tpu.vector_store %arg2[%swap3A_17, %swap3A_18, %swap3A_19], %swap3A_22 {strides = array<i32>} : memref<2x10112x64xbf16, #tpu.memory_space<vmem>>, vector<1x10000x64xbf16>,
    %broadcast_in_dim3A_23 = arith.constant 0.000000e+00 : bf16
    %broadcast_in_dim3A_24 = vector.broadcast %broadcast_in_dim3A_23 : bf16 to vector<2x112x64xbf16>
    %swap3A_25 = arith.constant 0 : index
    %swap3A_26 = arith.constant 10000 : index
    %swap3A_27 = arith.constant 0 : index
    %swap3A_28 = vector.load %arg2[%swap3A_25, %swap3A_26, %swap3A_27] : memref<2x10112x64xbf16, #tpu.memory_space<vmem>>, vector<2x112x64xbf16>
    tpu.vector_store %arg2[%swap3A_25, %swap3A_26, %swap3A_27], %broadcast_in_dim3A_24 {strides = array<i32>} : memref<2x10112x64xbf16, #tpu.memory_space<vmem>>, vector<2x112x64xbf16>,
    return
  }
}

module attributes {stable_mosaic.version = 14 : i64} {
  func.func @_dense_body(%arg0: memref<2x10112x64xbf16, #tpu.memory_space<vmem>>, %arg1: memref<2x10112x16xf32, #tpu.memory_space<vmem>>, %arg2: memref<10000x128xf32, #tpu.memory_space<vmem>>, %arg3: memref<128x128xf32, #tpu.memory_space<vmem>>, %arg4: memref<128xf32, #tpu.memory_space<vmem>>, %arg5: memref<128xf32, #tpu.memory_space<vmem>>, %arg6: memref<128x256xf32, #tpu.memory_space<vmem>>, %arg7: memref<256xf32, #tpu.memory_space<vmem>>, %arg8: memref<10000x128xf32, #tpu.memory_space<vmem>>) attributes {dimension_semantics = [], scalar_prefetch = 0 : i64, scratch_operands = 0 : i64, tpu.core_type = #tpu.core_type<tc>} {
    %get3A = arith.constant 0 : index
    %get3A_0 = arith.constant 0 : index
    %get3A_1 = arith.constant 0 : index
    %get3A_2 = vector.load %arg0[%get3A, %get3A_0, %get3A_1] : memref<2x10112x64xbf16, #tpu.memory_space<vmem>>, vector<1x10112x64xbf16>
    %get3A_3 = vector.shape_cast %get3A_2 : vector<1x10112x64xbf16> to vector<10112x64xbf16>
    %slice3A = vector.extract_strided_slice %get3A_3 {offsets = [0, 0], sizes = [10000, 64], strides = [1, 1]} : vector<10112x64xbf16> to vector<10000x64xbf16>
    %get3A_4 = arith.constant 1 : index
    %get3A_5 = arith.constant 0 : index
    %get3A_6 = arith.constant 0 : index
    %get3A_7 = vector.load %arg0[%get3A_4, %get3A_5, %get3A_6] : memref<2x10112x64xbf16, #tpu.memory_space<vmem>>, vector<1x10112x64xbf16>
    %get3A_8 = vector.shape_cast %get3A_7 : vector<1x10112x64xbf16> to vector<10112x64xbf16>
    %slice3A_9 = vector.extract_strided_slice %get3A_8 {offsets = [0, 0], sizes = [10000, 64], strides = [1, 1]} : vector<10112x64xbf16> to vector<10000x64xbf16>
    %concatenate3A = tpu.concatenate %slice3A, %slice3A_9 in 1 : vector<10000x64xbf16>, vector<10000x64xbf16> -> vector<10000x128xbf16>
    %convert_element_type3A = arith.extf %concatenate3A : vector<10000x128xbf16> to vector<10000x128xf32>
    %get3A_10 = arith.constant 1 : index
    %get3A_11 = arith.constant 0 : index
    %get3A_12 = arith.constant 0 : index
    %get3A_13 = vector.load %arg1[%get3A_10, %get3A_11, %get3A_12] : memref<2x10112x16xf32, #tpu.memory_space<vmem>>, vector<1x10112x16xf32>
    %get3A_14 = vector.shape_cast %get3A_13 : vector<1x10112x16xf32> to vector<10112x16xf32>
    %slice3A_15 = vector.extract_strided_slice %get3A_14 {offsets = [0, 0], sizes = [10000, 1], strides = [1, 1]} : vector<10112x16xf32> to vector<10000x1xf32>
    %squeeze3A = vector.shape_cast %slice3A_15 : vector<10000x1xf32> to vector<10000xf32>
    %max3A = arith.constant 1.000000e+00 : f32
    %max3A_16 = vector.broadcast %max3A : f32 to vector<10000xf32>
    %max3A_17 = arith.maximumf %squeeze3A, %max3A_16 : vector<10000xf32>
    %rsqrt3A = math.rsqrt %max3A_17 : vector<10000xf32>
    %broadcast_in_dim3A = vector.shape_cast %rsqrt3A : vector<10000xf32> to vector<10000x1xf32>
    %mul3A = vector.broadcast %broadcast_in_dim3A : vector<10000x1xf32> to vector<10000x128xf32>
    %mul3A_18 = arith.mulf %convert_element_type3A, %mul3A : vector<10000x128xf32>
    %get3A_19 = arith.constant 0 : index
    %get3A_20 = arith.constant 0 : index
    %get3A_21 = vector.load %arg3[%get3A_19, %get3A_20] : memref<128x128xf32, #tpu.memory_space<vmem>>, vector<128x128xf32>
    %dot_general3A = arith.constant dense<0.000000e+00> : vector<10000x128xf32>
    %dot_general3A_22 = tpu.matmul %mul3A_18, %get3A_21, %dot_general3A {dimension_numbers = #tpu.dot_dimension_numbers<[1], [0], [0], [1], [0, 0, 1, 1], [], []>, precision = #tpu.contract_precision<fp32>, transpose_lhs_hint = false} : vector<10000x128xf32>, vector<128x128xf32>, vector<10000x128xf32> -> vector<10000x128xf32>
    %reduce_sum3A = arith.constant dense<0.000000e+00> : vector<128xf32>
    %reduce_sum3A_23 = vector.multi_reduction <add>, %dot_general3A_22, %reduce_sum3A [0] : vector<10000x128xf32> to vector<128xf32>
    %div3A = arith.constant 1.000000e+04 : f32
    %div3A_24 = vector.broadcast %div3A : f32 to vector<128xf32>
    %div3A_25 = arith.divf %reduce_sum3A_23, %div3A_24 : vector<128xf32>
    %broadcast_in_dim3A_26 = vector.shape_cast %div3A_25 : vector<128xf32> to vector<1x128xf32>
    %sub3A = vector.broadcast %broadcast_in_dim3A_26 : vector<1x128xf32> to vector<10000x128xf32>
    %sub3A_27 = arith.subf %dot_general3A_22, %sub3A : vector<10000x128xf32>
    %integer_pow3A = arith.mulf %sub3A_27, %sub3A_27 : vector<10000x128xf32>
    %reduce_sum3A_28 = arith.constant dense<0.000000e+00> : vector<128xf32>
    %reduce_sum3A_29 = vector.multi_reduction <add>, %integer_pow3A, %reduce_sum3A_28 [0] : vector<10000x128xf32> to vector<128xf32>
    %div3A_30 = arith.constant 1.000000e+04 : f32
    %div3A_31 = vector.broadcast %div3A_30 : f32 to vector<128xf32>
    %div3A_32 = arith.divf %reduce_sum3A_29, %div3A_31 : vector<128xf32>
    %get3A_33 = arith.constant 0 : index
    %get3A_34 = vector.load %arg4[%get3A_33] : memref<128xf32, #tpu.memory_space<vmem>>, vector<128xf32>
    %broadcast_in_dim3A_35 = vector.shape_cast %div3A_25 : vector<128xf32> to vector<1x128xf32>
    %sub3A_36 = vector.broadcast %broadcast_in_dim3A_35 : vector<1x128xf32> to vector<10000x128xf32>
    %sub3A_37 = arith.subf %dot_general3A_22, %sub3A_36 : vector<10000x128xf32>
    %broadcast_in_dim3A_38 = vector.shape_cast %get3A_34 : vector<128xf32> to vector<1x128xf32>
    %mul3A_39 = vector.broadcast %broadcast_in_dim3A_38 : vector<1x128xf32> to vector<10000x128xf32>
    %mul3A_40 = arith.mulf %mul3A_39, %sub3A_37 : vector<10000x128xf32>
    %add3A = arith.constant 9.99999974E-5 : f32
    %add3A_41 = vector.broadcast %add3A : f32 to vector<128xf32>
    %add3A_42 = arith.addf %div3A_32, %add3A_41 : vector<128xf32>
    %rsqrt3A_43 = math.rsqrt %add3A_42 : vector<128xf32>
    %broadcast_in_dim3A_44 = vector.shape_cast %rsqrt3A_43 : vector<128xf32> to vector<1x128xf32>
    %mul3A_45 = vector.broadcast %broadcast_in_dim3A_44 : vector<1x128xf32> to vector<10000x128xf32>
    %mul3A_46 = arith.mulf %mul3A_40, %mul3A_45 : vector<10000x128xf32>
    %get3A_47 = arith.constant 0 : index
    %get3A_48 = vector.load %arg5[%get3A_47] : memref<128xf32, #tpu.memory_space<vmem>>, vector<128xf32>
    %broadcast_in_dim3A_49 = vector.shape_cast %get3A_48 : vector<128xf32> to vector<1x128xf32>
    %add3A_50 = vector.broadcast %broadcast_in_dim3A_49 : vector<1x128xf32> to vector<10000x128xf32>
    %add3A_51 = arith.addf %mul3A_46, %add3A_50 : vector<10000x128xf32>
    %get3A_52 = arith.constant 0 : index
    %get3A_53 = arith.constant 0 : index
    %get3A_54 = vector.load %arg6[%get3A_52, %get3A_53] : memref<128x256xf32, #tpu.memory_space<vmem>>, vector<128x256xf32>
    %dot_general3A_55 = arith.constant dense<0.000000e+00> : vector<10000x256xf32>
    %dot_general3A_56 = tpu.matmul %add3A_51, %get3A_54, %dot_general3A_55 {dimension_numbers = #tpu.dot_dimension_numbers<[1], [0], [0], [1], [0, 0, 1, 1], [], []>, precision = #tpu.contract_precision<fp32>, transpose_lhs_hint = false} : vector<10000x128xf32>, vector<128x256xf32>, vector<10000x256xf32> -> vector<10000x256xf32>
    %get3A_57 = arith.constant 0 : index
    %get3A_58 = vector.load %arg7[%get3A_57] : memref<256xf32, #tpu.memory_space<vmem>>, vector<256xf32>
    %broadcast_in_dim3A_59 = vector.shape_cast %get3A_58 : vector<256xf32> to vector<1x256xf32>
    %add3A_60 = vector.broadcast %broadcast_in_dim3A_59 : vector<1x256xf32> to vector<10000x256xf32>
    %add3A_61 = arith.addf %dot_general3A_56, %add3A_60 : vector<10000x256xf32>
    %slice3A_62 = vector.extract_strided_slice %add3A_61 {offsets = [0, 0], sizes = [10000, 128], strides = [1, 1]} : vector<10000x256xf32> to vector<10000x128xf32>
    %mul3A_63 = arith.mulf %slice3A_62, %add3A_51 : vector<10000x128xf32>
    %slice3A_64 = vector.extract_strided_slice %add3A_61 {offsets = [0, 128], sizes = [10000, 128], strides = [1, 1]} : vector<10000x256xf32> to vector<10000x128xf32>
    %add3A_65 = arith.addf %mul3A_63, %slice3A_64 : vector<10000x128xf32>
    %max3A_66 = arith.constant 0.000000e+00 : f32
    %max3A_67 = vector.broadcast %max3A_66 : f32 to vector<10000x128xf32>
    %max3A_68 = arith.maximumf %add3A_65, %max3A_67 : vector<10000x128xf32>
    %get3A_69 = arith.constant 0 : index
    %get3A_70 = arith.constant 0 : index
    %get3A_71 = vector.load %arg2[%get3A_69, %get3A_70] : memref<10000x128xf32, #tpu.memory_space<vmem>>, vector<10000x128xf32>
    %add3A_72 = arith.addf %max3A_68, %get3A_71 : vector<10000x128xf32>
    %swap3A = arith.constant 0 : index
    %swap3A_73 = arith.constant 0 : index
    %swap3A_74 = vector.load %arg8[%swap3A, %swap3A_73] : memref<10000x128xf32, #tpu.memory_space<vmem>>, vector<10000x128xf32>
    tpu.vector_store %arg8[%swap3A, %swap3A_73], %add3A_72 {strides = array<i32>} : memref<10000x128xf32, #tpu.memory_space<vmem>>, vector<10000x128xf32>,
    return
  }
}

</mosaic_0001>

<sc_bundles>
// kernel: kernel.6.cloned.1.call-start
scs
__scs_entry_jumppad:
0x0: {  	(pc) =	sbr.rel $0x88, $3  }
0x1: {  	(tag) =	ssettag $0x0;
	lr =	simm.s32 $0x1  }
0x2: {  	[smem:$0x3F9A] =	sst lr;
	_ =	strace $0xD0000000  }
0x3: {  	_ = 	snop  }
0x4: {  	_ = 	snop  }
0x5: {  	_ = 	snop  }
0x6: {  	_ = 	snop  }
0x7: {  	_ = 	snop  }
__scs_overlays_trampoline_lowered:
0x8: {  	[smem:$0x3FA9] =	sst s0  }
0x9: {  	[smem:$0x3FAA] =	sst s1  }
0xa: {  	[smem:$0x3FAB] =	sst s2  }
0xb: {  	[smem:$0x3FAC] =	sst s3  }
0xc: {  	[smem:$0x3FAD] =	sst s4  }
0xd: {  	[smem:$0x3FAE] =	sst s5  }
0xe: {  	[smem:$0x3FAF] =	sst s6  }
0xf: {  	[smem:$0x3FB0] =	sst s7  }
0x10: {  	[smem:$0x3FB1] =	sst s8  }
0x11: {  	[smem:$0x3FB2] =	sst s9;
	s0 =	simm.s32 @!p0 $0x0  }
0x12: {  	s1 =	sld [smem:$0x3F98];
	s0 =	simm.s32 @p0 $0x1  }
0x13: {  	[smem:$0x3FB3] =	sst s0;
	s0 =	simm.s32 @!p1 $0x0  }
0x14: {  	s2 =	sld [smem:$0x3F97];
	s0 =	simm.s32 @p1 $0x1  }
0x15: {  	[smem:$0x3FB4] =	sst s0;
	s0 =	simm.s32 @!p2 $0x0  }
0x16: {  	s3 =	sld [smem:$0x3FDB];
	s0 =	simm.s32 @p2 $0x1  }
0x17: {  	s4 =	simm.s32 $0x1BF5;
	[smem:$0x3FB6] =	sst s0  }
0x18: {  	s0 =	sld [smem:$0x3F99];
	_ =	swait.ge [sflag:s4], $0x0  }
0x19: {  	s7 =	sld [smem:$0x3F9A]  }
0x1a: {  	s8 =	sadd.s32 $0xFFFFE003, lr  }
0x1b: {  	s9 =	sadd.s32 $0xFFFFFEF7, lr;
	s5 =	simm.s32 $0xFFFFFFFF;
	p2 =	slt.u32 s8, $0xFFFFF086  }
0x1c: {  	p1 =	slt.u32 s9, $0xF7A;
	s5 =	simm.s32 @!p2 $0x0  }
0x1d: {  	s5 =	simm.s32 @p1 $0x1;
	p0 =	seq.s32 s7, s2  }
0x1e: {  	s7 =	smul.u32 @!p0 $0xF7A, s2;
	p2 =	seq.s32 @!p0 s5, $0x0  }
0x1f: {  	s9 =	smul.u32 $0xF7A, s1;
	s8 =	simm.s32 @!p0 $0x1BF5;
	p2 =	por !p2, p0  }
0x20: {  	[sflag:s8] =	ssyncset.s32 @!p0 $0xFFFFF086;
	s6 =	sadd.s32 @!p0 s3, s7;
	s7 =	simm.s32 @!p0 $0x108  }
0x21: {  	s3 =	sadd.s32 s3, s9;
	s6 =	sadd.s32 @!p0 $0x88, s6;
	s7 =	simm.s32 @p2 $0x1082  }
0x22: {  	[simem:s7], [sflag:s8] =	dma.local @!p0 [hbm:s6], $0xF7A  }
0x23: {  	s9 =	sor.u32 $0xD0000000, s2;
	s6 =	simm.s32 $0x108;
	_ =	swait.ge @!p0 [sflag:s8], $0x0  }
0x24: {  	s3 =	sadd.s32 $0x88, s3;
	s6 =	simm.s32 @!p1 $0x1082;
	[sflag:s4] =	ssyncset.s32 $0xFFFFF086  }
0x25: {  	[simem:s6], [sflag:s4] =	dma.local [hbm:s3], $0xF7A  }
0x26: {  	[smem:$0x3F9A] =	sst s1;
	(tag) =	ssettag s2;
	_ =	strace s9  }
0x27: {  	s1 =	sld [smem:$0x3FAA]  }
0x28: {  	s2 =	sld [smem:$0x3FAB]  }
0x29: {  	s4 =	sld [smem:$0x3FAD]  }
0x2a: {  	p0 =	seq.s32 s5, $0x0;
	s5 =	sld [smem:$0x3FAE]  }
0x2b: {  	s6 =	sld [smem:$0x3FAF]  }
0x2c: {  	s7 =	sld [smem:$0x3FB0]  }
0x2d: {  	s3 =	simm.s32 $0x108;
	s8 =	sld [smem:$0x3FB1]  }
0x2e: {  	s3 =	simm.s32 @!p0 $0x1082;
	s9 =	sld [smem:$0x3FB2]  }
0x2f: {  	lr =	sadd.s32 s0, s3;
	s0 =	sld [smem:$0x3FA9]  }
0x30: {  	s3 =	sld [smem:$0x3FAC]  }
0x31: {  	[smem:$0x3FB5] =	sst s10  }
0x32: {  	s10 =	sld [smem:$0x3FB3];
	_ =	sdelay $0x3  }
0x33: {  	p0 =	seq.s32 s10, $0x1;
	s10 =	sld [smem:$0x3FB5];
	_ =	sdelay $0x3  }
0x34: {  	[smem:$0x3FB5] =	sst s10  }
0x35: {  	s10 =	sld [smem:$0x3FB4];
	_ =	sdelay $0x3  }
0x36: {  	p1 =	seq.s32 s10, $0x1;
	s10 =	sld [smem:$0x3FB5];
	_ =	sdelay $0x3  }
0x37: {  	[smem:$0x3FB5] =	sst s10  }
0x38: {  	s10 =	sld [smem:$0x3FB6]  }
0x39: {  	_ = 	snop;
	(pc) =	sbr.ind lr, $3  }
0x3a: {  	_ = 	snop  }
0x3b: {  	_ = 	snop  }
0x3c: {  	p2 =	seq.s32 s10, $0x1;
	s10 =	sld [smem:$0x3FB5]  }
0x3d: {  	_ =	shalt  }
0x3e: {  	_ =	shalt  }
0x3f: {  	_ =	shalt  }
0x40: {  	_ =	shalt  }
0x41: {  	_ =	shalt  }
0x42: {  	_ =	shalt  }
0x43: {  	_ =	shalt  }
0x44: {  	_ =	shalt  }
0x45: {  	_ =	shalt  }
0x46: {  	_ =	shalt  }
0x47: {  	_ =	shalt  }
0x48: {  	_ =	shalt  }
0x49: {  	_ =	shalt  }
0x4a: {  	_ =	shalt  }
0x4b: {  	_ =	shalt  }
0x4c: {  	_ =	shalt  }
0x4d: {  	_ =	shalt  }
0x4e: {  	_ =	shalt  }
0x4f: {  	_ =	shalt  }
0x50: {  	_ =	shalt  }
0x51: {  	_ =	shalt  }
0x52: {  	_ =	shalt  }
0x53: {  	_ =	shalt  }
0x54: {  	_ =	shalt  }
0x55: {  	_ =	shalt  }
0x56: {  	_ =	shalt  }
0x57: {  	_ =	shalt  }
0x58: {  	_ =	shalt  }
0x59: {  	_ =	shalt  }
0x5a: {  	_ =	shalt  }
0x5b: {  	_ =	shalt  }
0x5c: {  	_ =	shalt  }
0x5d: {  	_ =	shalt  }
0x5e: {  	_ =	shalt  }
0x5f: {  	_ =	shalt  }
0x60: {  	_ =	shalt  }
0x61: {  	_ =	shalt  }
0x62: {  	_ =	shalt  }
0x63: {  	_ =	shalt  }
0x64: {  	_ =	shalt  }
0x65: {  	_ =	shalt  }
0x66: {  	_ =	shalt  }
0x67: {  	_ =	shalt  }
0x68: {  	_ =	shalt  }
0x69: {  	_ =	shalt  }
0x6a: {  	_ =	shalt  }
0x6b: {  	_ =	shalt  }
0x6c: {  	_ =	shalt  }
0x6d: {  	_ =	shalt  }
0x6e: {  	_ =	shalt  }
0x6f: {  	_ =	shalt  }
0x70: {  	_ =	shalt  }
0x71: {  	_ =	shalt  }
0x72: {  	_ =	shalt  }
0x73: {  	_ =	shalt  }
0x74: {  	_ =	shalt  }
0x75: {  	_ =	shalt  }
0x76: {  	_ =	shalt  }
0x77: {  	_ =	shalt  }
0x78: {  	_ =	shalt  }
0x79: {  	_ =	shalt  }
0x7a: {  	_ =	shalt  }
0x7b: {  	_ =	shalt  }
0x7c: {  	_ =	shalt  }
0x7d: {  	_ =	shalt  }
0x7e: {  	_ =	shalt  }
0x7f: {  	_ =	shalt  }
0x80: {  	_ =	shalt  }
0x81: {  	_ =	shalt  }
0x82: {  	_ =	shalt  }
0x83: {  	_ =	shalt  }
0x84: {  	_ =	shalt  }
0x85: {  	_ =	shalt  }
0x86: {  	_ =	shalt  }
0x87: {  	_ =	shalt  }
.Lfunc_end0:
.L_simem_size_0:
called_computation_lowered:
.L_overlay_start_0:
0x88: {  	s2 =	sld [smem:$0x3FD9]  }
0x89: {  	s3 =	sld [smem:$0x3FFE];
	_ =	sdelay $0x1  }
0x8a: {  	s1 =	srdreg.scid  }
0x8b: {  	s0 =	sand.u32 $0x1, s1  }
0x8c: {  	s17 =	sshll.u32 s0, $0xA;
	s2 =	sadd.s32 s3, s2  }
0x8d: {  	s2 =	sadd.s32 s2, s17  }
0x8e: {  	[smem:$0x3FC1] =	sst s2  }
0x8f: {  	_ = 	snop  }
0x90: {  	s2 =	sld [smem:$0x3FD0];
	(tm) =	ssettm $0x1  }
0x91: {  	s18 =	sld [smem:$0x3FFB];
	_ =	sdelay $0x3  }
0x92: {  	_ =	strace s18  }
0x93: {  	s3 =	sld [smem:$0x3FFC];
	_ =	sdelay $0x3  }
0x94: {  	_ =	strace s3  }
0x95: {  	s3 =	sld [smem:$0x3FFD];
	_ =	sdelay $0x3  }
0x96: {  	_ =	strace s3  }
0x97: {  	_ =	strace $0x8FFFFFFF  }
0x98: {  	s19 =	sld [smem:$0x3FDB];
	_ =	sdelay $0x1  }
0x99: {  	s4 =	simm.s32 $_scs_section_size  }
0x9a: {  	s5 =	simm.s32 $_size__tile_overlayer_lowered;
	s6 =	simm.s32 $_tile_overlayer_lowered  }
0x9b: {  	s22 =	simm.s32 $0x1BFF;
	s21 =	sshll.u32 s6, $0x1;
	s3 =	sadd.s32 s4, s19  }
0x9c: {  	s7 =	simm.s32 $0x0;
	s20 =	sshll.u32 s5, $0x1;
	s5 =	sadd.s32 s21, s3  }
0x9d: {  	[timem:s7], [sflag:s22] =	dma.local [hbm:s5], s20  }
0x9e: {  	_ =	swait.ge [sflag:s22], s20  }
0x9f: {  	s4 =	ssub.s32 $0x0, s20;
	[sflag:s22] =	ssyncset.done $0x0  }
0xa0: {  	[sflag:s22] =	ssyncadd.s32 s4;
	_ =	sdelay $0x1  }
0xa1: {  	s23 =	simm.s32 $0x1B8B  }
0xa2: {  	_ =	swait.ge [sflag:s23], $0x1  }
0xa3: {  	[sflag:s23] =	ssyncset.done $0x0  }
0xa4: {  	s25 =	simm.s32 $0x1B8E;
	s24 =	sld [smem:$0x3FFE];
	[sflag:s23] =	ssyncadd.s32 $0xFFFFFFFF  }
0xa5: {  	s26 =	simm.s32 $execute0_lowered;
	[smem:$0x3FD2] =	sst s25  }
0xa6: {  	s5 =	sshll.u32 s26, $0x1;
	_ =	strace $0x80000046;
	[dreg:$0x1] =	wrdreg $0xFFFFFFFF  }
0xa7: {  	s28 =	simm.s32 $_size_execute0_lowered;
	s3 =	sadd.s32 s3, s5;
	[dreg:$0x0] =	wrdreg $0x0  }
0xa8: {  	s5 =	sshll.u32 s28, $0x1;
	[dreg:$0x2] =	wrdreg s3  }
0xa9: {  	[dreg:$0x3] =	wrdreg s5  }
0xaa: {  	[dreg:$0x4] =	wrdreg $0xC0  }
0xab: {  	_ =	task [dreg:s7], $0x5FFFF  }
0xac: {  	[dreg:$0x1] =	wrdreg $0xFFFFFFFF  }
0xad: {  	[dreg:$0x0] =	wrdreg $0x60  }
0xae: {  	[dreg:$0x2] =	wrdreg s2  }
0xaf: {  	[dreg:$0x3] =	wrdreg s24  }
0xb0: {  	[dreg:$0x4] =	wrdreg $0x7F800  }
0xb1: {  	[dreg:$0x5] =	wrdreg $0x9  }
0xb2: {  	_ =	task.clear_ibuf [dreg:s7], $0x6FFFF;
	_ =	strace $0x90000046  }
0xb3: {  	s29 =	simm.s32 $0x9;
	_ =	strace $0x80000048  }
0xb4: {  	_ =	swait.ge [sflag:s29], $0x1  }
0xb5: {  	[sflag:s29] =	ssyncadd.s32 $0xFFFFFFFF  }
0xb6: {  	_ =	strace $0x90000048  }
0xb7: {  	_ =	sfence  }
0xb8: {  	s30 =	sld [smem:$0x0];
	_ =	sdelay $0x2  }
0xb9: {  	s31 =	sshll.u32 s1, $0xD;
	s1 =	sshrl.u32 s1, $0x2  }
0xba: {  	s3 =	sand.u32 $0x4000, s31;
	s1 =	sadd.s32 s1, s30  }
0xbb: {  	s0 =	sor.u32 s3, s0;
	s1 =	sshll.u32 s1, $0x11  }
0xbc: {  	s0 =	sor.u32 s1, s0  }
0xbd: {  	s0 =	sadd.s32 $0x8F2B, s0  }
0xbe: {  	[sflag:s0] =	ssyncadd.remote.s32 $0x1  }
0xbf: {  	_ =	sfence.sel $0xFFFF  }
0xc0: {  	[dreg:$0x0] =	wrdreg $0xFFFFFFFF;
	(pc) =	sbr.abs _section_cstart, $3  }
0xc1: {  	[dreg:$0x1] =	wrdreg $0xFFFFFFFF  }
0xc2: {  	_ =	task.clear_ibuf [dreg:s7], $0x2FFFF;
	_ =	strace $0x9FFFFFFF  }
0xc3: {  	(tm) =	ssettm $0x7FFFFFFF  }
tec
execute0_lowered:
.L_overlay_start_1:
0x0: {  	(tag) =	ssettag $0x1  }
0x1: {  	s5 =	rddreg [dreg:$0x0]  }
0x2: {  	s4 =	rddreg [dreg:$0x1]  }
0x3: {  	s1 =	rddreg [dreg:$0x2];
	s2 =	srdreg.scid  }
0x4: {  	s0 =	rddreg [dreg:$0x3];
	s3 =	simm.s32 $0x0;
	s6 =	sand.u32 $0x1, s2  }
0x5: {  	s11 =	simm.s32 $0x1;
	s2 =	stileid.u32;
	s7 =	smul.u32 $0x50000, s6  }
0x6: {  	s12 =	simm.s32 $0x2;
	s13 =	simm.s32 $0x3;
	s8 =	smul.u32 $0x5000, s2  }
0x7: {  	s14 =	simm.s32 $0x4;
	[smem:$0x7FF] =	sst s3;
	s9 =	smul.u32 $0x4F00, s6  }
0x8: {  	_ =	strace $0x80000047;
	s6 =	ssub.s32 $0x2, s6;
	s10 =	smul.u32 $0x2780, s2  }
0x9: {  	s17 =	sshll.u32 s2, $0x6;
	s31 =	sshrl.u32 s6, $0x1;
	s7 =	sadd.s32 s8, s7  }
0xa: {  	s30 =	sadd.s32 s9, s4;
	s6 =	ssub.s32 s6, s31;
	s4 =	sadd.s32 s10, s1  }
0xb: {  	s16 =	sshrl.u32 s10, $0x3;
	s8 =	simm.s32 $0x5;
	s9 =	simm.s32 $0x80  }
0xc: {  	s10 =	simm.s32 $0x5000;
	s7 =	sshrl.u32 s7, $0x3;
	s15 =	sadd.s32 $0x14E00, s30  }
0xd: {  	s6 =	smax.u32 s6, $0x1;
	s5 =	sadd.s32 s5, s7;
	s7 =	simm.s32 $0x5800  }
0xe: {  	v0 =	vimm.f32 $1.000000000e+00;
	v1 =	vimm.f32 $0.0e+00;
	s15 =	sadd.s32 s16, s15;
	s16 =	sor.u32 $0x1C05, s17;
	s17 =	sshrl.u32 s4, $0x3  }
.LBB2_1:
0xf: {  	s18 =	simm.s32 $0x0  }
.LBB2_2:
0x10: {  	p0 =	sne.s32 s18, $0x1FC0  }
.Ltmp0:
0x11: {  	_ = 	snop;
	(pc) =	sbr.rel @p0 .LBB2_2-.Ltmp0, $3  }
0x12: {  	_ =	sdelay $0x1  }
0x13: {  	s19 =	sshra.s32 s18, $0x2  }
0x14: {  	s18 =	sadd.s32 $0x40, s18;
	[tilespmem:s19+$0x5000] =	vst v0  }
0x15: {  	s18 =	simm.s32 $0x40;
	s19 =	simm.s32 $0x0  }
.LBB2_4:
0x16: {  	p0 =	sne.s32 s18, $0x9DC0;
	[tilespmem:s19+$0x5800] =	vst v1;
	s19 =	smov.u32 s18;
	s18 =	sadd.s32 $0x40, s18  }
.Ltmp1:
0x17: {  	(pc) =	sbr.rel @p0 .LBB2_4-.Ltmp1, $2  }
0x18: {  	_ =	sdelay $0x2  }
0x19: {  	s19 =	sshra.s32 s19, $0x2  }
0x1a: {  	[tilespmem:s19+$0x5800] =	vst v1  }
0x1b: {  	[spmem:s4] =	stream.linear.scatter [tilespmem:s7], [sflag:$0x5], $0x2780, $0x38;
	[tilespmem:$0xA700] =	vst v63  }
0x1c: {  	_ =	swait.ge [sflag:s8], $0x2780  }
0x1d: {  	[sflag:s8] =	ssyncset.done $0x0  }
0x1e: {  	s18 =	simm.s32 $0x0;
	[sflag:s8] =	ssyncadd.s32 $0xFFFFD880  }
0x1f: {  	[tilespmem:s18], [sflag:$0x5] =	stream.linear.gather [hbm4b:s5+s18], $0x5000, $0x38;
	[tilespmem:$0xA700] =	vst v63  }
0x20: {  	_ =	swait.ge [sflag:s8], $0x5000  }
0x21: {  	[sflag:s8] =	ssyncset.done $0x0  }
0x22: {  	[sflag:s8] =	ssyncadd.s32 $0xFFFFB000  }
0x23: {  	s28 =	simm.s32 $0x0;
	[bflag:$0x0] =	sbarrier.arrive $0xFFFF  }
0x24: {  	[spmem:s1] =	stream.indirect.scatter.add.f32 [tilespmem:s10], [sflag:$0x1], $0x10, s28, s9, $0xb8;
	[tilespmem:$0xA700] =	vst v63  }
0x25: {  	s29 =	simm.s32 $0x80  }
0x26: {  	[spmem:s1] =	stream.indirect.scatter.add.f32 [tilespmem:s10], [sflag:$0x2], $0x10, s29, s9, $0xb8;
	[tilespmem:$0xA700] =	vst v63  }
0x27: {  	s30 =	simm.s32 $0x100  }
0x28: {  	[spmem:s1] =	stream.indirect.scatter.add.f32 [tilespmem:s10], [sflag:$0x3], $0x10, s30, s9, $0xb8;
	[tilespmem:$0xA700] =	vst v63  }
0x29: {  	s31 =	simm.s32 $0x180  }
0x2a: {  	[spmem:s1] =	stream.indirect.scatter.add.f32 [tilespmem:s10], [sflag:$0x4], $0x10, s31, s9, $0xb8;
	[tilespmem:$0xA700] =	vst v63  }
0x2b: {  	_ =	swait.ge [sflag:s11], $0x800  }
0x2c: {  	[sflag:s11] =	ssyncset.done $0x0  }
0x2d: {  	[sflag:s11] =	ssyncadd.s32 $0xFFFFF800  }
0x2e: {  	_ =	swait.ge [sflag:s12], $0x800  }
0x2f: {  	[sflag:s12] =	ssyncset.done $0x0  }
0x30: {  	[sflag:s12] =	ssyncadd.s32 $0xFFFFF800  }
0x31: {  	_ =	swait.ge [sflag:s13], $0x800  }
0x32: {  	[sflag:s13] =	ssyncset.done $0x0  }
0x33: {  	[sflag:s13] =	ssyncadd.s32 $0xFFFFF800  }
0x34: {  	_ =	swait.ge [sflag:s14], $0x800  }
0x35: {  	s19 =	simm.s32 $0x1000;
	s18 =	simm.s32 $0x800;
	[sflag:s14] =	ssyncset.done $0x0  }
.LBB2_6:
0x36: {  	s20 =	sshra.s32 s18, $0x2  }
0x37: {  	[sflag:s14] =	ssyncadd.s32 $0xFFFFF800;
	s18 =	smov.u32 s19;
	s21 =	sadd.s32 $0x800, s19  }
0x38: {  	[spmem:s1] =	stream.indirect.scatter.add.f32 [tilespmem:s10], [sflag:$0x1], $0x10, s20, s9, $0xb8;
	[tilespmem:$0xA700] =	vst v63  }
0x39: {  	p0 =	sne.s32 s19, $0x13800;
	s19 =	sadd.s32 $0x80, s20  }
0x3a: {  	[spmem:s1] =	stream.indirect.scatter.add.f32 [tilespmem:s10], [sflag:$0x2], $0x10, s19, s9, $0xb8;
	[tilespmem:$0xA700] =	vst v63  }
0x3b: {  	s19 =	sadd.s32 $0x100, s20  }
0x3c: {  	[spmem:s1] =	stream.indirect.scatter.add.f32 [tilespmem:s10], [sflag:$0x3], $0x10, s19, s9, $0xb8;
	[tilespmem:$0xA700] =	vst v63  }
0x3d: {  	s19 =	sadd.s32 $0x180, s20  }
0x3e: {  	[spmem:s1] =	stream.indirect.scatter.add.f32 [tilespmem:s10], [sflag:$0x4], $0x10, s19, s9, $0xb8;
	[tilespmem:$0xA700] =	vst v63  }
0x3f: {  	_ =	swait.ge [sflag:s11], $0x800  }
0x40: {  	[sflag:s11] =	ssyncset.done $0x0  }
0x41: {  	[sflag:s11] =	ssyncadd.s32 $0xFFFFF800  }
0x42: {  	_ =	swait.ge [sflag:s12], $0x800  }
0x43: {  	[sflag:s12] =	ssyncset.done $0x0  }
0x44: {  	[sflag:s12] =	ssyncadd.s32 $0xFFFFF800  }
.Ltmp2:
0x45: {  	_ =	swait.ge [sflag:s13], $0x800;
	(pc) =	sbr.rel @p0 .LBB2_6-.Ltmp2, $4  }
0x46: {  	[sflag:s13] =	ssyncset.done $0x0  }
0x47: {  	[sflag:s13] =	ssyncadd.s32 $0xFFFFF800  }
0x48: {  	_ =	swait.ge [sflag:s14], $0x800  }
0x49: {  	s19 =	smov.u32 s21;
	[sflag:s14] =	ssyncset.done $0x0  }
0x4a: {  	s18 =	sshra.s32 s18, $0x2;
	[sflag:s14] =	ssyncadd.s32 $0xFFFFF800  }
0x4b: {  	[spmem:s1] =	stream.indirect.scatter.add.f32 [tilespmem:s10], [sflag:$0x1], $0x10, s18, s9, $0xb8;
	[tilespmem:$0xA700] =	vst v63  }
0x4c: {  	s19 =	sadd.s32 $0x80, s18  }
0x4d: {  	[spmem:s1] =	stream.indirect.scatter.add.f32 [tilespmem:s10], [sflag:$0x2], $0x10, s19, s9, $0xb8;
	[tilespmem:$0xA700] =	vst v63  }
0x4e: {  	s31 =	sadd.s32 $0x100, s18  }
0x4f: {  	[spmem:s1] =	stream.indirect.scatter.add.f32 [tilespmem:s10], [sflag:$0x3], $0x10, s31, s9, $0xb8;
	[tilespmem:$0xA700] =	vst v63  }
0x50: {  	s18 =	sadd.s32 $0x180, s18  }
0x51: {  	[spmem:s1] =	stream.indirect.scatter.add.f32 [tilespmem:s10], [sflag:$0x4], $0x10, s18, s9, $0xb8;
	[tilespmem:$0xA700] =	vst v63  }
0x52: {  	_ =	swait.ge [sflag:s11], $0x800  }
0x53: {  	[sflag:s11] =	ssyncset.done $0x0  }
0x54: {  	[sflag:s11] =	ssyncadd.s32 $0xFFFFF800  }
0x55: {  	_ =	swait.ge [sflag:s12], $0x800  }
0x56: {  	[sflag:s12] =	ssyncset.done $0x0  }
0x57: {  	[sflag:s12] =	ssyncadd.s32 $0xFFFFF800  }
0x58: {  	_ =	swait.ge [sflag:s13], $0x800  }
0x59: {  	[sflag:s13] =	ssyncset.done $0x0  }
0x5a: {  	[sflag:s13] =	ssyncadd.s32 $0xFFFFF800  }
0x5b: {  	_ =	swait.ge [sflag:s14], $0x800  }
0x5c: {  	s3 =	sadd.s32 $0x1, s3;
	[sflag:s14] =	ssyncset.done $0x0  }
0x5d: {  	p0 =	sne.s32 s3, s6;
	[sflag:s14] =	ssyncadd.s32 $0xFFFFF800  }
.Ltmp3:
0x5e: {  	[bflag:$0x0] =	sbarrier.arrive $0xFFFF;
	(pc) =	sbr.rel @p0 .LBB2_1-.Ltmp3, $4  }
0x5f: {  	[hbm:s15], [sflag:s16] =	dma.local [spmem:s17], $0x4F0  }
0x60: {  	_ =	swait.ge [sflag:s8], $0x4F0  }
0x61: {  	[sflag:s8] =	ssyncset.done $0x0  }
0x62: {  	[sflag:s8] =	ssyncadd.s32 $0xFFFFFB10  }
0x63: {  	_ =	sfence.sel $0x180000  }
0x64: {  	[bflag:$0x0] =	sbarrier.arrive $0xFFFF  }
0x65: {  	p0 =	sne.s32 s2, $0x0;
	_ =	strace $0x90000047  }
0x66: {  	s0 =	sadd.s32 @!p0 $0x100000, s0;
	[bflag:$0x2] =	sbarrier.arrive $0xFFFF  }
0x67: {  	[sflag:s0] =	ssyncadd.tile.s32 @!p0 $0x1;
	_ =	shalt  }
.Lfunc_end2:
_tile_overlayer_lowered:
.L_overlay_start_2:
0x68: {  	(tag) =	ssettag $0x2  }
0x69: {  	s0 =	rddreg [dreg:$0x0];
	s2 =	stileid.u32  }
0x6a: {  	s1 =	rddreg [dreg:$0x1];
	p0 =	sne.s32 s2, $0x0  }
0x6b: {  	s3 =	rddreg [dreg:$0x2];
	[bflag:$0x3] =	sbarrier.arrive $0xFFFF;
	s2 =	simm.s32 @!p0 $0x1C05  }
0x6c: {  	[timem:s3], [sflag:s2] =	dma.local @!p0 [hbm:s0], s1  }
0x6d: {  	s0 =	simm.s32 @!p0 $0x5  }
0x6e: {  	_ =	swait.ge @!p0 [sflag:s0], s1  }
0x6f: {  	s1 =	ssub.s32 @!p0 $0x0, s1;
	[sflag:s0] =	ssyncset.done @!p0 $0x0  }
0x70: {  	[sflag:s0] =	ssyncadd.s32 @!p0 s1  }
0x71: {  	[bflag:$0x3] =	sbarrier.arrive $0xFFFF  }
0x72: {  	_ =	shalt  }

// kernel: kernel.9.cloned.1.call-start
scs
__scs_entry_jumppad:
0x0: {  	(pc) =	sbr.rel $0x88, $3  }
0x1: {  	(tag) =	ssettag $0x0;
	lr =	simm.s32 $0x1  }
0x2: {  	[smem:$0x3F9A] =	sst lr;
	_ =	strace $0xD0000000  }
0x3: {  	_ = 	snop  }
0x4: {  	_ = 	snop  }
0x5: {  	_ = 	snop  }
0x6: {  	_ = 	snop  }
0x7: {  	_ = 	snop  }
__scs_overlays_trampoline_lowered:
0x8: {  	[smem:$0x3FA9] =	sst s0  }
0x9: {  	[smem:$0x3FAA] =	sst s1  }
0xa: {  	[smem:$0x3FAB] =	sst s2  }
0xb: {  	[smem:$0x3FAC] =	sst s3  }
0xc: {  	[smem:$0x3FAD] =	sst s4  }
0xd: {  	[smem:$0x3FAE] =	sst s5  }
0xe: {  	[smem:$0x3FAF] =	sst s6  }
0xf: {  	[smem:$0x3FB0] =	sst s7  }
0x10: {  	[smem:$0x3FB1] =	sst s8  }
0x11: {  	[smem:$0x3FB2] =	sst s9;
	s0 =	simm.s32 @!p0 $0x0  }
0x12: {  	s1 =	sld [smem:$0x3F98];
	s0 =	simm.s32 @p0 $0x1  }
0x13: {  	[smem:$0x3FB3] =	sst s0;
	s0 =	simm.s32 @!p1 $0x0  }
0x14: {  	s2 =	sld [smem:$0x3F97];
	s0 =	simm.s32 @p1 $0x1  }
0x15: {  	[smem:$0x3FB4] =	sst s0;
	s0 =	simm.s32 @!p2 $0x0  }
0x16: {  	s3 =	sld [smem:$0x3FDB];
	s0 =	simm.s32 @p2 $0x1  }
0x17: {  	s4 =	simm.s32 $0x1BF5;
	[smem:$0x3FB6] =	sst s0  }
0x18: {  	s0 =	sld [smem:$0x3F99];
	_ =	swait.ge [sflag:s4], $0x0  }
0x19: {  	s7 =	sld [smem:$0x3F9A]  }
0x1a: {  	s8 =	sadd.s32 $0xFFFFE003, lr  }
0x1b: {  	s9 =	sadd.s32 $0xFFFFFEF7, lr;
	s5 =	simm.s32 $0xFFFFFFFF;
	p2 =	slt.u32 s8, $0xFFFFF086  }
0x1c: {  	p1 =	slt.u32 s9, $0xF7A;
	s5 =	simm.s32 @!p2 $0x0  }
0x1d: {  	s5 =	simm.s32 @p1 $0x1;
	p0 =	seq.s32 s7, s2  }
0x1e: {  	s7 =	smul.u32 @!p0 $0xF7A, s2;
	p2 =	seq.s32 @!p0 s5, $0x0  }
0x1f: {  	s9 =	smul.u32 $0xF7A, s1;
	s8 =	simm.s32 @!p0 $0x1BF5;
	p2 =	por !p2, p0  }
0x20: {  	[sflag:s8] =	ssyncset.s32 @!p0 $0xFFFFF086;
	s6 =	sadd.s32 @!p0 s3, s7;
	s7 =	simm.s32 @!p0 $0x108  }
0x21: {  	s3 =	sadd.s32 s3, s9;
	s6 =	sadd.s32 @!p0 $0x88, s6;
	s7 =	simm.s32 @p2 $0x1082  }
0x22: {  	[simem:s7], [sflag:s8] =	dma.local @!p0 [hbm:s6], $0xF7A  }
0x23: {  	s9 =	sor.u32 $0xD0000000, s2;
	s6 =	simm.s32 $0x108;
	_ =	swait.ge @!p0 [sflag:s8], $0x0  }
0x24: {  	s3 =	sadd.s32 $0x88, s3;
	s6 =	simm.s32 @!p1 $0x1082;
	[sflag:s4] =	ssyncset.s32 $0xFFFFF086  }
0x25: {  	[simem:s6], [sflag:s4] =	dma.local [hbm:s3], $0xF7A  }
0x26: {  	[smem:$0x3F9A] =	sst s1;
	(tag) =	ssettag s2;
	_ =	strace s9  }
0x27: {  	s1 =	sld [smem:$0x3FAA]  }
0x28: {  	s2 =	sld [smem:$0x3FAB]  }
0x29: {  	s4 =	sld [smem:$0x3FAD]  }
0x2a: {  	p0 =	seq.s32 s5, $0x0;
	s5 =	sld [smem:$0x3FAE]  }
0x2b: {  	s6 =	sld [smem:$0x3FAF]  }
0x2c: {  	s7 =	sld [smem:$0x3FB0]  }
0x2d: {  	s3 =	simm.s32 $0x108;
	s8 =	sld [smem:$0x3FB1]  }
0x2e: {  	s3 =	simm.s32 @!p0 $0x1082;
	s9 =	sld [smem:$0x3FB2]  }
0x2f: {  	lr =	sadd.s32 s0, s3;
	s0 =	sld [smem:$0x3FA9]  }
0x30: {  	s3 =	sld [smem:$0x3FAC]  }
0x31: {  	[smem:$0x3FB5] =	sst s10  }
0x32: {  	s10 =	sld [smem:$0x3FB3];
	_ =	sdelay $0x3  }
0x33: {  	p0 =	seq.s32 s10, $0x1;
	s10 =	sld [smem:$0x3FB5];
	_ =	sdelay $0x3  }
0x34: {  	[smem:$0x3FB5] =	sst s10  }
0x35: {  	s10 =	sld [smem:$0x3FB4];
	_ =	sdelay $0x3  }
0x36: {  	p1 =	seq.s32 s10, $0x1;
	s10 =	sld [smem:$0x3FB5];
	_ =	sdelay $0x3  }
0x37: {  	[smem:$0x3FB5] =	sst s10  }
0x38: {  	s10 =	sld [smem:$0x3FB6]  }
0x39: {  	_ = 	snop;
	(pc) =	sbr.ind lr, $3  }
0x3a: {  	_ = 	snop  }
0x3b: {  	_ = 	snop  }
0x3c: {  	p2 =	seq.s32 s10, $0x1;
	s10 =	sld [smem:$0x3FB5]  }
0x3d: {  	_ =	shalt  }
0x3e: {  	_ =	shalt  }
0x3f: {  	_ =	shalt  }
0x40: {  	_ =	shalt  }
0x41: {  	_ =	shalt  }
0x42: {  	_ =	shalt  }
0x43: {  	_ =	shalt  }
0x44: {  	_ =	shalt  }
0x45: {  	_ =	shalt  }
0x46: {  	_ =	shalt  }
0x47: {  	_ =	shalt  }
0x48: {  	_ =	shalt  }
0x49: {  	_ =	shalt  }
0x4a: {  	_ =	shalt  }
0x4b: {  	_ =	shalt  }
0x4c: {  	_ =	shalt  }
0x4d: {  	_ =	shalt  }
0x4e: {  	_ =	shalt  }
0x4f: {  	_ =	shalt  }
0x50: {  	_ =	shalt  }
0x51: {  	_ =	shalt  }
0x52: {  	_ =	shalt  }
0x53: {  	_ =	shalt  }
0x54: {  	_ =	shalt  }
0x55: {  	_ =	shalt  }
0x56: {  	_ =	shalt  }
0x57: {  	_ =	shalt  }
0x58: {  	_ =	shalt  }
0x59: {  	_ =	shalt  }
0x5a: {  	_ =	shalt  }
0x5b: {  	_ =	shalt  }
0x5c: {  	_ =	shalt  }
0x5d: {  	_ =	shalt  }
0x5e: {  	_ =	shalt  }
0x5f: {  	_ =	shalt  }
0x60: {  	_ =	shalt  }
0x61: {  	_ =	shalt  }
0x62: {  	_ =	shalt  }
0x63: {  	_ =	shalt  }
0x64: {  	_ =	shalt  }
0x65: {  	_ =	shalt  }
0x66: {  	_ =	shalt  }
0x67: {  	_ =	shalt  }
0x68: {  	_ =	shalt  }
0x69: {  	_ =	shalt  }
0x6a: {  	_ =	shalt  }
0x6b: {  	_ =	shalt  }
0x6c: {  	_ =	shalt  }
0x6d: {  	_ =	shalt  }
0x6e: {  	_ =	shalt  }
0x6f: {  	_ =	shalt  }
0x70: {  	_ =	shalt  }
0x71: {  	_ =	shalt  }
0x72: {  	_ =	shalt  }
0x73: {  	_ =	shalt  }
0x74: {  	_ =	shalt  }
0x75: {  	_ =	shalt  }
0x76: {  	_ =	shalt  }
0x77: {  	_ =	shalt  }
0x78: {  	_ =	shalt  }
0x79: {  	_ =	shalt  }
0x7a: {  	_ =	shalt  }
0x7b: {  	_ =	shalt  }
0x7c: {  	_ =	shalt  }
0x7d: {  	_ =	shalt  }
0x7e: {  	_ =	shalt  }
0x7f: {  	_ =	shalt  }
0x80: {  	_ =	shalt  }
0x81: {  	_ =	shalt  }
0x82: {  	_ =	shalt  }
0x83: {  	_ =	shalt  }
0x84: {  	_ =	shalt  }
0x85: {  	_ =	shalt  }
0x86: {  	_ =	shalt  }
0x87: {  	_ =	shalt  }
.Lfunc_end0:
.L_simem_size_0:
called_computation.1_lowered:
.L_overlay_start_0:
0x88: {  	s2 =	sld [smem:$0x3FD9]  }
0x89: {  	s3 =	sld [smem:$0x3FFE];
	_ =	sdelay $0x1  }
0x8a: {  	s1 =	srdreg.scid  }
0x8b: {  	s0 =	sand.u32 $0x1, s1  }
0x8c: {  	s17 =	sshll.u32 s0, $0xA;
	s2 =	sadd.s32 s3, s2  }
0x8d: {  	s2 =	sadd.s32 s2, s17  }
0x8e: {  	[smem:$0x3FC1] =	sst s2  }
0x8f: {  	_ = 	snop  }
0x90: {  	s2 =	sld [smem:$0x3FD0];
	(tm) =	ssettm $0x1  }
0x91: {  	s18 =	sld [smem:$0x3FFB];
	_ =	sdelay $0x3  }
0x92: {  	_ =	strace s18  }
0x93: {  	s3 =	sld [smem:$0x3FFC];
	_ =	sdelay $0x3  }
0x94: {  	_ =	strace s3  }
0x95: {  	s3 =	sld [smem:$0x3FFD];
	_ =	sdelay $0x3  }
0x96: {  	_ =	strace s3  }
0x97: {  	_ =	strace $0x8FFFFFFF  }
0x98: {  	s19 =	sld [smem:$0x3FDB];
	_ =	sdelay $0x1  }
0x99: {  	s4 =	simm.s32 $_scs_section_size  }
0x9a: {  	s5 =	simm.s32 $_size__tile_overlayer_lowered;
	s6 =	simm.s32 $_tile_overlayer_lowered  }
0x9b: {  	s22 =	simm.s32 $0x1BFF;
	s21 =	sshll.u32 s6, $0x1;
	s3 =	sadd.s32 s4, s19  }
0x9c: {  	s7 =	simm.s32 $0x0;
	s20 =	sshll.u32 s5, $0x1;
	s5 =	sadd.s32 s21, s3  }
0x9d: {  	[timem:s7], [sflag:s22] =	dma.local [hbm:s5], s20  }
0x9e: {  	_ =	swait.ge [sflag:s22], s20  }
0x9f: {  	s4 =	ssub.s32 $0x0, s20;
	[sflag:s22] =	ssyncset.done $0x0  }
0xa0: {  	[sflag:s22] =	ssyncadd.s32 s4;
	_ =	sdelay $0x1  }
0xa1: {  	s23 =	simm.s32 $0x1B8B  }
0xa2: {  	_ =	swait.ge [sflag:s23], $0x1  }
0xa3: {  	[sflag:s23] =	ssyncset.done $0x0  }
0xa4: {  	s25 =	simm.s32 $0x1B8E;
	s24 =	sld [smem:$0x3FFE];
	[sflag:s23] =	ssyncadd.s32 $0xFFFFFFFF  }
0xa5: {  	s26 =	simm.s32 $execute0_lowered;
	[smem:$0x3FD2] =	sst s25  }
0xa6: {  	s5 =	sshll.u32 s26, $0x1;
	_ =	strace $0x80000049;
	[dreg:$0x1] =	wrdreg $0xFFFFFFFF  }
0xa7: {  	s28 =	simm.s32 $_size_execute0_lowered;
	s3 =	sadd.s32 s3, s5;
	[dreg:$0x0] =	wrdreg $0x0  }
0xa8: {  	s5 =	sshll.u32 s28, $0x1;
	[dreg:$0x2] =	wrdreg s3  }
0xa9: {  	[dreg:$0x3] =	wrdreg s5  }
0xaa: {  	[dreg:$0x4] =	wrdreg $0xC0  }
0xab: {  	_ =	task [dreg:s7], $0x5FFFF  }
0xac: {  	[dreg:$0x1] =	wrdreg $0xFFFFFFFF  }
0xad: {  	[dreg:$0x0] =	wrdreg $0x60  }
0xae: {  	[dreg:$0x2] =	wrdreg s2  }
0xaf: {  	[dreg:$0x3] =	wrdreg s24  }
0xb0: {  	[dreg:$0x4] =	wrdreg $0x12F000  }
0xb1: {  	[dreg:$0x5] =	wrdreg $0xE0000  }
0xb2: {  	[dreg:$0x6] =	wrdreg $0x9  }
0xb3: {  	_ =	task.clear_ibuf [dreg:s7], $0x7FFFF;
	_ =	strace $0x90000049  }
0xb4: {  	s29 =	simm.s32 $0x9;
	_ =	strace $0x8000004B  }
0xb5: {  	_ =	swait.ge [sflag:s29], $0x1  }
0xb6: {  	[sflag:s29] =	ssyncadd.s32 $0xFFFFFFFF  }
0xb7: {  	_ =	strace $0x9000004B  }
0xb8: {  	_ =	sfence  }
0xb9: {  	s30 =	sld [smem:$0x0];
	_ =	sdelay $0x2  }
0xba: {  	s31 =	sshll.u32 s1, $0xD;
	s1 =	sshrl.u32 s1, $0x2  }
0xbb: {  	s3 =	sand.u32 $0x4000, s31;
	s1 =	sadd.s32 s1, s30  }
0xbc: {  	s0 =	sor.u32 s3, s0;
	s1 =	sshll.u32 s1, $0x11  }
0xbd: {  	s0 =	sor.u32 s1, s0  }
0xbe: {  	s0 =	sadd.s32 $0x8F2B, s0  }
0xbf: {  	[sflag:s0] =	ssyncadd.remote.s32 $0x1  }
0xc0: {  	_ =	sfence.sel $0xFFFF  }
0xc1: {  	[dreg:$0x0] =	wrdreg $0xFFFFFFFF;
	(pc) =	sbr.abs _section_cstart, $3  }
0xc2: {  	[dreg:$0x1] =	wrdreg $0xFFFFFFFF  }
0xc3: {  	_ =	task.clear_ibuf [dreg:s7], $0x2FFFF;
	_ =	strace $0x9FFFFFFF  }
0xc4: {  	(tm) =	ssettm $0x7FFFFFFF  }
0xc5: {  	_ =	shalt  }
tec
execute0_lowered:
.L_overlay_start_1:
0x0: {  	(tag) =	ssettag $0x1  }
0x1: {  	s0 =	rddreg [dreg:$0x0]  }
0x2: {  	s1 =	rddreg [dreg:$0x1]  }
0x3: {  	s2 =	rddreg [dreg:$0x2]  }
0x4: {  	s3 =	rddreg [dreg:$0x3]  }
0x5: {  	s11 =	stileid.u32;
	s5 =	srdreg.scid;
	s4 =	simm.s32 $0x0  }
0x6: {  	s17 =	simm.s32 $0xA000;
	s18 =	simm.s32 $0x9;
	s20 =	simm.s32 $0x5  }
0x7: {  	s28 =	simm.s32 $0x2;
	s29 =	simm.s32 $0xD000;
	s6 =	smul.u32 $0xA00, s11  }
0x8: {  	s30 =	simm.s32 $0x3;
	s31 =	simm.s32 $0x4;
	s8 =	smul.u32 $0x9E00, s11  }
0x9: {  	s5 =	sand.u32 $0x1, s5;
	[smem:$0x7FF] =	sst s4;
	s10 =	smul.u32 $0x13C00, s11  }
0xa: {  	s7 =	smul.u32 $0x9E00, s5;
	_ =	strace $0x8000004A;
	s5 =	ssub.s32 $0x2, s5  }
0xb: {  	s6 =	sadd.s32 s6, s1;
	s9 =	sshrl.u32 s5, $0x1;
	s12 =	sshrl.u32 s8, $0x1  }
0xc: {  	s19 =	sshrl.u32 s8, $0x4;
	s21 =	sshrl.u32 s10, $0x2;
	s1 =	sadd.s32 s7, s1  }
0xd: {  	s9 =	ssub.s32 s5, s9;
	s16 =	sadd.s32 s12, s2;
	s0 =	sadd.s32 s0, s7  }
0xe: {  	s5 =	sshll.u32 s11, $0x6;
	s8 =	sadd.s32 s21, s3;
	s24 =	sadd.s32 $0xE00, s6  }
0xf: {  	s11 =	sadd.s32 $0xAE00, s6;
	s26 =	sadd.s32 s12, s3;
	s21 =	simm.s32 $0x80  }
0x10: {  	s0 =	sadd.s32 s19, s0;
	s22 =	sor.u32 $0x1C05, s5;
	s23 =	sadd.s32 $0x4000, s8  }
0x11: {  	[dreg:$0x8] =	wrdreg s24;
	s25 =	sadd.s32 $0x63E00, s1;
	s12 =	smax.u32 s9, $0x1  }
0x12: {  	s13 =	sadd.s32 $0x1000, s8;
	s14 =	sadd.s32 $0x2000, s8;
	[dreg:$0x5] =	wrdreg s0  }
0x13: {  	s15 =	sadd.s32 $0x3000, s8;
	s16 =	sshrl.u32 s16, $0x3;
	[dreg:$0x6] =	wrdreg s22  }
0x14: {  	s24 =	simm.s32 $0x1;
	s1 =	simm.s32 $0x7;
	[dreg:$0x7] =	wrdreg s23  }
0x15: {  	s22 =	simm.s32 $0xB000;
	s23 =	sadd.s32 s19, s25;
	s25 =	sshrl.u32 s26, $0x3  }
0x16: {  	v0 =	vimm.bf16 $0.0e+00;
	s26 =	simm.s32 $0xC000;
	s0 =	simm.s32 $0x6;
	s19 =	simm.s32 $0x8  }
.LBB2_1:
0x17: {  	s6 =	rddreg [dreg:$0x5]  }
0x18: {  	s7 =	rddreg [dreg:$0x6]  }
0x19: {  	[spmem:s16], [sflag:s7] =	dma.local [hbm:s6], $0x9E0  }
0x1a: {  	s6 =	simm.s32 $0x80;
	s7 =	simm.s32 $0x0  }
.LBB2_2:
0x1b: {  	p0 =	seq.s32 s6, $0x3F80;
	[tilespmem:s7+$0xA000] =	vst v0;
	s9 =	smov.u32 s6;
	s6 =	sadd.s32 $0x80, s6  }
.Ltmp0:
0x1c: {  	[tilespmem:s7+$0xA010] =	vst v0;
	(pc) =	sbr.rel @!p0 .LBB2_2-.Ltmp0, $2  }
0x1d: {  	_ =	sdelay $0x2  }
0x1e: {  	s7 =	sshra.s32 s9, $0x2  }
0x1f: {  	[tilespmem:s7+$0xA000] =	vst v0  }
0x20: {  	[tilespmem:s7+$0xA010] =	vst v0  }
0x21: {  	[spmem:s8] =	stream.linear.scatter [tilespmem:s17], [sflag:$0x9], $0x1000, $0x38;
	[tilespmem:$0x17E00] =	vst v63  }
0x22: {  	_ =	swait.ge [sflag:s18], $0x1000  }
0x23: {  	[sflag:s18] =	ssyncset.done $0x0  }
0x24: {  	[sflag:s18] =	ssyncadd.s32 $0xFFFFF000  }
0x25: {  	[spmem:s13] =	stream.linear.scatter [tilespmem:s17], [sflag:$0x9], $0x1000, $0x38;
	[tilespmem:$0x17E00] =	vst v63  }
0x26: {  	_ =	swait.ge [sflag:s18], $0x1000  }
0x27: {  	[sflag:s18] =	ssyncset.done $0x0  }
0x28: {  	[sflag:s18] =	ssyncadd.s32 $0xFFFFF000  }
0x29: {  	[spmem:s14] =	stream.linear.scatter [tilespmem:s17], [sflag:$0x9], $0x1000, $0x38;
	[tilespmem:$0x17E00] =	vst v63  }
0x2a: {  	_ =	swait.ge [sflag:s18], $0x1000  }
0x2b: {  	[sflag:s18] =	ssyncset.done $0x0  }
0x2c: {  	[sflag:s18] =	ssyncadd.s32 $0xFFFFF000  }
0x2d: {  	[spmem:s15] =	stream.linear.scatter [tilespmem:s17], [sflag:$0x9], $0x1000, $0x38;
	[tilespmem:$0x17E00] =	vst v63  }
0x2e: {  	_ =	swait.ge [sflag:s18], $0x1000  }
0x2f: {  	[sflag:s18] =	ssyncset.done $0x0  }
0x30: {  	s6 =	rddreg [dreg:$0x7];
	[sflag:s18] =	ssyncadd.s32 $0xFFFFF000  }
0x31: {  	[spmem:s6] =	stream.linear.scatter [tilespmem:s17], [sflag:$0x9], $0xF00, $0x38;
	[tilespmem:$0x17E00] =	vst v63  }
0x32: {  	_ =	swait.ge [sflag:s18], $0xF00  }
0x33: {  	[sflag:s18] =	ssyncset.done $0x0  }
0x34: {  	s6 =	simm.s32 $0x0;
	s9 =	rddreg [dreg:$0x8];
	[sflag:s18] =	ssyncadd.s32 $0xFFFFF100  }
0x35: {  	[tilespmem:s6], [sflag:$0x9] =	stream.linear.gather [hbm4b:s9+s6], $0x5000, $0x38;
	[tilespmem:$0x17E00] =	vst v63  }
0x36: {  	_ =	swait.ge [sflag:s18], $0x5000  }
0x37: {  	[sflag:s18] =	ssyncset.done $0x0  }
0x38: {  	s10 =	simm.s32 $0x5000;
	[sflag:s18] =	ssyncadd.s32 $0xFFFFB000  }
0x39: {  	[tilespmem:s10], [sflag:$0x9] =	stream.linear.gather [hbm4b:s11+s6], $0x5000, $0x38;
	[tilespmem:$0x17E00] =	vst v63  }
0x3a: {  	_ =	swait.ge [sflag:s18], $0x5000  }
0x3b: {  	[sflag:s18] =	ssyncset.done $0x0  }
0x3c: {  	[sflag:s18] =	ssyncadd.s32 $0xFFFFB000  }
0x3d: {  	_ =	swait.ge [sflag:s20], $0x9E0  }
0x3e: {  	[sflag:s20] =	ssyncset.done $0x0  }
0x3f: {  	[sflag:s20] =	ssyncadd.s32 $0xFFFFF620  }
0x40: {  	s9 =	simm.s32 $0x0;
	[bflag:$0x0] =	sbarrier.arrive $0xFFFF  }
0x41: {  	[tilespmem:s17], [sflag:$0x1] =	stream.indirect.gather [spmem:s2], $0x20, s9, s21, $0xb8;
	[tilespmem:$0x17E00] =	vst v63  }
0x42: {  	s10 =	simm.s32 $0x80  }
0x43: {  	[tilespmem:s22], [sflag:$0x2] =	stream.indirect.gather [spmem:s2], $0x20, s10, s21, $0xb8;
	[tilespmem:$0x17E00] =	vst v63  }
0x44: {  	_ =	swait.ge [sflag:s24], $0x1000  }
0x45: {  	[sflag:s24] =	ssyncset.done $0x0  }
0x46: {  	s7 =	simm.s32 $0x5000;
	[sflag:s24] =	ssyncadd.s32 $0xFFFFF000  }
0x47: {  	[spmem:s3] =	stream.indirect.scatter.add.bf16 [tilespmem:s17], [sflag:$0x5], $0x20, s7, s21, $0xb8;
	[tilespmem:$0x17E00] =	vst v63  }
0x48: {  	s9 =	simm.s32 $0x100  }
0x49: {  	[tilespmem:s26], [sflag:$0x3] =	stream.indirect.gather [spmem:s2], $0x20, s9, s21, $0xb8;
	[tilespmem:$0x17E00] =	vst v63  }
0x4a: {  	_ =	swait.ge [sflag:s28], $0x1000  }
0x4b: {  	[sflag:s28] =	ssyncset.done $0x0  }
0x4c: {  	s10 =	simm.s32 $0x5080;
	[sflag:s28] =	ssyncadd.s32 $0xFFFFF000  }
0x4d: {  	[spmem:s3] =	stream.indirect.scatter.add.bf16 [tilespmem:s22], [sflag:$0x6], $0x20, s10, s21, $0xb8;
	[tilespmem:$0x17E00] =	vst v63  }
0x4e: {  	s7 =	simm.s32 $0x180  }
0x4f: {  	[tilespmem:s29], [sflag:$0x4] =	stream.indirect.gather [spmem:s2], $0x20, s7, s21, $0xb8;
	[tilespmem:$0x17E00] =	vst v63  }
0x50: {  	_ =	swait.ge [sflag:s30], $0x1000  }
0x51: {  	[sflag:s30] =	ssyncset.done $0x0  }
0x52: {  	s9 =	simm.s32 $0x5100;
	[sflag:s30] =	ssyncadd.s32 $0xFFFFF000  }
0x53: {  	[spmem:s3] =	stream.indirect.scatter.add.bf16 [tilespmem:s26], [sflag:$0x7], $0x20, s9, s21, $0xb8;
	[tilespmem:$0x17E00] =	vst v63  }
0x54: {  	_ =	swait.ge [sflag:s31], $0x1000  }
0x55: {  	[sflag:s31] =	ssyncset.done $0x0  }
0x56: {  	s10 =	simm.s32 $0x5180;
	[sflag:s31] =	ssyncadd.s32 $0xFFFFF000  }
0x57: {  	[spmem:s3] =	stream.indirect.scatter.add.bf16 [tilespmem:s29], [sflag:$0x8], $0x20, s10, s21, $0xb8;
	[tilespmem:$0x17E00] =	vst v63  }
0x58: {  	_ =	swait.ge [sflag:s20], $0x1000  }
0x59: {  	[sflag:s20] =	ssyncset.done $0x0  }
0x5a: {  	[sflag:s20] =	ssyncadd.s32 $0xFFFFF000  }
0x5b: {  	_ =	swait.ge [sflag:s0], $0x1000  }
0x5c: {  	[sflag:s0] =	ssyncset.done $0x0  }
0x5d: {  	[sflag:s0] =	ssyncadd.s32 $0xFFFFF000  }
0x5e: {  	_ =	swait.ge [sflag:s1], $0x1000  }
0x5f: {  	[sflag:s1] =	ssyncset.done $0x0  }
0x60: {  	[sflag:s1] =	ssyncadd.s32 $0xFFFFF000  }
0x61: {  	_ =	swait.ge [sflag:s19], $0x1000  }
0x62: {  	s6 =	simm.s32 $0x800;
	s7 =	simm.s32 $0x1000;
	[sflag:s19] =	ssyncset.done $0x0  }
.LBB2_4:
0x63: {  	s10 =	sshra.s32 s6, $0x2  }
0x64: {  	[sflag:s19] =	ssyncadd.s32 $0xFFFFF000;
	s6 =	smov.u32 s7;
	s9 =	sadd.s32 $0x800, s7  }
0x65: {  	[tilespmem:s17], [sflag:$0x1] =	stream.indirect.gather [spmem:s2], $0x20, s10, s21, $0xb8;
	[tilespmem:$0x17E00] =	vst v63  }
0x66: {  	p0 =	sne.s32 s7, $0x13800;
	s7 =	sadd.s32 $0x80, s10  }
0x67: {  	[tilespmem:s22], [sflag:$0x2] =	stream.indirect.gather [spmem:s2], $0x20, s7, s21, $0xb8;
	[tilespmem:$0x17E00] =	vst v63  }
0x68: {  	_ =	swait.ge [sflag:s24], $0x1000  }
0x69: {  	[sflag:s24] =	ssyncset.done $0x0  }
0x6a: {  	s7 =	sadd.s32 $0x5000, s10;
	[sflag:s24] =	ssyncadd.s32 $0xFFFFF000  }
0x6b: {  	[spmem:s3] =	stream.indirect.scatter.add.bf16 [tilespmem:s17], [sflag:$0x5], $0x20, s7, s21, $0xb8;
	[tilespmem:$0x17E00] =	vst v63  }
0x6c: {  	s7 =	sadd.s32 $0x100, s10  }
0x6d: {  	[tilespmem:s26], [sflag:$0x3] =	stream.indirect.gather [spmem:s2], $0x20, s7, s21, $0xb8;
	[tilespmem:$0x17E00] =	vst v63  }
0x6e: {  	_ =	swait.ge [sflag:s28], $0x1000  }
0x6f: {  	[sflag:s28] =	ssyncset.done $0x0  }
0x70: {  	s7 =	sadd.s32 $0x5080, s10;
	[sflag:s28] =	ssyncadd.s32 $0xFFFFF000  }
0x71: {  	[spmem:s3] =	stream.indirect.scatter.add.bf16 [tilespmem:s22], [sflag:$0x6], $0x20, s7, s21, $0xb8;
	[tilespmem:$0x17E00] =	vst v63  }
0x72: {  	s7 =	sadd.s32 $0x180, s10  }
0x73: {  	[tilespmem:s29], [sflag:$0x4] =	stream.indirect.gather [spmem:s2], $0x20, s7, s21, $0xb8;
	[tilespmem:$0x17E00] =	vst v63  }
0x74: {  	_ =	swait.ge [sflag:s30], $0x1000  }
0x75: {  	[sflag:s30] =	ssyncset.done $0x0  }
0x76: {  	s7 =	sadd.s32 $0x5100, s10;
	[sflag:s30] =	ssyncadd.s32 $0xFFFFF000  }
0x77: {  	[spmem:s3] =	stream.indirect.scatter.add.bf16 [tilespmem:s26], [sflag:$0x7], $0x20, s7, s21, $0xb8;
	[tilespmem:$0x17E00] =	vst v63  }
0x78: {  	_ =	swait.ge [sflag:s31], $0x1000  }
0x79: {  	[sflag:s31] =	ssyncset.done $0x0  }
0x7a: {  	s7 =	sadd.s32 $0x5180, s10;
	[sflag:s31] =	ssyncadd.s32 $0xFFFFF000  }
0x7b: {  	[spmem:s3] =	stream.indirect.scatter.add.bf16 [tilespmem:s29], [sflag:$0x8], $0x20, s7, s21, $0xb8;
	[tilespmem:$0x17E00] =	vst v63  }
0x7c: {  	_ =	swait.ge [sflag:s20], $0x1000  }
0x7d: {  	[sflag:s20] =	ssyncset.done $0x0  }
0x7e: {  	[sflag:s20] =	ssyncadd.s32 $0xFFFFF000  }
0x7f: {  	_ =	swait.ge [sflag:s0], $0x1000  }
0x80: {  	[sflag:s0] =	ssyncset.done $0x0  }
0x81: {  	[sflag:s0] =	ssyncadd.s32 $0xFFFFF000  }
.Ltmp1:
0x82: {  	_ =	swait.ge [sflag:s1], $0x1000;
	(pc) =	sbr.rel @p0 .LBB2_4-.Ltmp1, $4  }
0x83: {  	[sflag:s1] =	ssyncset.done $0x0  }
0x84: {  	[sflag:s1] =	ssyncadd.s32 $0xFFFFF000  }
0x85: {  	_ =	swait.ge [sflag:s19], $0x1000  }
0x86: {  	s7 =	smov.u32 s9;
	[sflag:s19] =	ssyncset.done $0x0  }
0x87: {  	s6 =	sshra.s32 s6, $0x2;
	[sflag:s19] =	ssyncadd.s32 $0xFFFFF000  }
0x88: {  	[tilespmem:s17], [sflag:$0x1] =	stream.indirect.gather [spmem:s2], $0x20, s6, s21, $0xb8;
	[tilespmem:$0x17E00] =	vst v63  }
0x89: {  	s7 =	sadd.s32 $0x80, s6  }
0x8a: {  	[tilespmem:s22], [sflag:$0x2] =	stream.indirect.gather [spmem:s2], $0x20, s7, s21, $0xb8;
	[tilespmem:$0x17E00] =	vst v63  }
0x8b: {  	_ =	swait.ge [sflag:s24], $0x1000  }
0x8c: {  	[sflag:s24] =	ssyncset.done $0x0  }
0x8d: {  	s9 =	sadd.s32 $0x5000, s6;
	[sflag:s24] =	ssyncadd.s32 $0xFFFFF000  }
0x8e: {  	[spmem:s3] =	stream.indirect.scatter.add.bf16 [tilespmem:s17], [sflag:$0x5], $0x20, s9, s21, $0xb8;
	[tilespmem:$0x17E00] =	vst v63  }
0x8f: {  	s10 =	sadd.s32 $0x100, s6  }
0x90: {  	[tilespmem:s26], [sflag:$0x3] =	stream.indirect.gather [spmem:s2], $0x20, s10, s21, $0xb8;
	[tilespmem:$0x17E00] =	vst v63  }
0x91: {  	_ =	swait.ge [sflag:s28], $0x1000  }
0x92: {  	[sflag:s28] =	ssyncset.done $0x0  }
0x93: {  	s9 =	sadd.s32 $0x5080, s6;
	[sflag:s28] =	ssyncadd.s32 $0xFFFFF000  }
0x94: {  	[spmem:s3] =	stream.indirect.scatter.add.bf16 [tilespmem:s22], [sflag:$0x6], $0x20, s9, s21, $0xb8;
	[tilespmem:$0x17E00] =	vst v63  }
0x95: {  	s10 =	sadd.s32 $0x180, s6  }
0x96: {  	[tilespmem:s29], [sflag:$0x4] =	stream.indirect.gather [spmem:s2], $0x20, s10, s21, $0xb8;
	[tilespmem:$0x17E00] =	vst v63  }
0x97: {  	_ =	swait.ge [sflag:s30], $0x1000  }
0x98: {  	[sflag:s30] =	ssyncset.done $0x0  }
0x99: {  	s9 =	sadd.s32 $0x5100, s6;
	[sflag:s30] =	ssyncadd.s32 $0xFFFFF000  }
0x9a: {  	[spmem:s3] =	stream.indirect.scatter.add.bf16 [tilespmem:s26], [sflag:$0x7], $0x20, s9, s21, $0xb8;
	[tilespmem:$0x17E00] =	vst v63  }
0x9b: {  	_ =	swait.ge [sflag:s31], $0x1000  }
0x9c: {  	[sflag:s31] =	ssyncset.done $0x0  }
0x9d: {  	s6 =	sadd.s32 $0x5180, s6;
	[sflag:s31] =	ssyncadd.s32 $0xFFFFF000  }
0x9e: {  	[spmem:s3] =	stream.indirect.scatter.add.bf16 [tilespmem:s29], [sflag:$0x8], $0x20, s6, s21, $0xb8;
	[tilespmem:$0x17E00] =	vst v63  }
0x9f: {  	_ =	swait.ge [sflag:s20], $0x1000  }
0xa0: {  	[sflag:s20] =	ssyncset.done $0x0  }
0xa1: {  	[sflag:s20] =	ssyncadd.s32 $0xFFFFF000  }
0xa2: {  	_ =	swait.ge [sflag:s0], $0x1000  }
0xa3: {  	[sflag:s0] =	ssyncset.done $0x0  }
0xa4: {  	[sflag:s0] =	ssyncadd.s32 $0xFFFFF000  }
0xa5: {  	_ =	swait.ge [sflag:s1], $0x1000  }
0xa6: {  	[sflag:s1] =	ssyncset.done $0x0  }
0xa7: {  	[sflag:s1] =	ssyncadd.s32 $0xFFFFF000  }
0xa8: {  	_ =	swait.ge [sflag:s19], $0x1000  }
0xa9: {  	s4 =	sadd.s32 $0x1, s4;
	[sflag:s19] =	ssyncset.done $0x0  }
0xaa: {  	p0 =	sne.s32 s4, s12;
	[sflag:s19] =	ssyncadd.s32 $0xFFFFF000  }
.Ltmp2:
0xab: {  	s10 =	sor.u32 $0x1C09, s5;
	[bflag:$0x0] =	sbarrier.arrive $0xFFFF;
	(pc) =	sbr.rel @p0 .LBB2_1-.Ltmp2, $4  }
0xac: {  	[hbm:s23], [sflag:s10] =	dma.local [spmem:s25], $0x9E0  }
0xad: {  	_ =	swait.ge [sflag:s18], $0x9E0  }
0xae: {  	[sflag:s18] =	ssyncset.done $0x0  }
0xaf: {  	[sflag:s18] =	ssyncadd.s32 $0xFFFFF620  }
0xb0: {  	_ =	sfence.sel $0x180000  }
0xb1: {  	[bflag:$0x0] =	sbarrier.arrive $0xFFFF  }
0xb2: {  	_ =	strace $0x9000004A  }
0xb3: {  	s0 =	stileid.u32;
	[bflag:$0x2] =	sbarrier.arrive $0xFFFF  }
0xb4: {  	p0 =	sne.s32 s0, $0x0;
	s0 =	rddreg [dreg:$0x4]  }
0xb5: {  	s0 =	sadd.s32 @!p0 $0x100000, s0  }
0xb6: {  	[sflag:s0] =	ssyncadd.tile.s32 @!p0 $0x1;
	_ =	shalt  }
.Lfunc_end2:
_tile_overlayer_lowered:
.L_overlay_start_2:
0xb7: {  	(tag) =	ssettag $0x2  }
0xb8: {  	s0 =	rddreg [dreg:$0x0];
	s2 =	stileid.u32  }
0xb9: {  	s1 =	rddreg [dreg:$0x1];
	p0 =	sne.s32 s2, $0x0  }
0xba: {  	s3 =	rddreg [dreg:$0x2];
	[bflag:$0x3] =	sbarrier.arrive $0xFFFF;
	s2 =	simm.s32 @!p0 $0x1C09  }
0xbb: {  	[timem:s3], [sflag:s2] =	dma.local @!p0 [hbm:s0], s1  }
0xbc: {  	s0 =	simm.s32 @!p0 $0x9  }
0xbd: {  	_ =	swait.ge @!p0 [sflag:s0], s1  }
0xbe: {  	s1 =	ssub.s32 @!p0 $0x0, s1;
	[sflag:s0] =	ssyncset.done @!p0 $0x0  }
0xbf: {  	[sflag:s0] =	ssyncadd.s32 @!p0 s1  }
0xc0: {  	[bflag:$0x3] =	sbarrier.arrive $0xFFFF  }
0xc1: {  	_ =	shalt  }

</sc_bundles>
